<compile_context>
chip_gen: v7x
topology: tpu7x:2x2x1
jax: 0.10.2.dev20260603
libtpu: 0.0.44.dev20260713+nightly
codegen_flags: <defaults>
</compile_context>

<pallas_src>
import jax
import jax.numpy as jnp
from jax import lax
from jax.experimental import pallas as pl
from jax.experimental.pallas import tpu as pltpu
from jax.experimental.pallas import tpu_sc as plsc

VOCAB = 1000000
DIM = 64
CTX = 8192

_NC = 2
_NS = 16
_NW = _NC * _NS
_BPW = CTX // _NW
_LANES = 16
_RING = 8
_DCH = DIM // _LANES


def _fire(wt_hbm, grp_v, sem, b, t):
    off = (t >> 7) * 128
    pltpu.async_copy(
        wt_hbm.at[:, pl.ds(off, 128)],
        grp_v.at[pl.ds(b * DIM, DIM)],
        sem,
    )


def _body(x_hbm, wt_hbm, pos_hbm, out_hbm, idx_v, grp_v, rows_v, sem):
    wid = lax.axis_index("s") * _NC + lax.axis_index("c")
    base = wid * _BPW
    pltpu.sync_copy(x_hbm.at[pl.ds(base, _BPW)], idx_v.at[pl.ds(0, _BPW)])
    pltpu.sync_copy(pos_hbm.at[pl.ds(base, _BPW)], rows_v)

    iotas = [
        jax.lax.iota(jnp.int32, _LANES) + g * _LANES for g in range(_DCH)
    ]

    v0 = idx_v[pl.ds(0, _LANES)]
    for b in range(_RING):
        _fire(wt_hbm, grp_v, sem, b, v0[b])

    def round_body(r, _):
        v = idx_v[pl.ds(r * _RING, _LANES)]
        for b in range(_RING):
            s = r * _RING + b
            t = v[b]
            pltpu.make_async_copy(
                wt_hbm.at[:, pl.ds(0, 128)],
                grp_v.at[pl.ds(b * DIM, DIM)],
                sem,
            ).wait()
            vloc = jnp.broadcast_to(t & 127, (_LANES,))
            for g in range(_DCH):
                col = plsc.load_gather(grp_v, [iotas[g] + b * DIM, vloc])
                sl = pl.ds(g * _LANES, _LANES)
                rows_v[s, sl] = rows_v[s, sl] + col
        @pl.when(r < _BPW // _RING - 1)
        def _():
            for b in range(_RING):
                _fire(wt_hbm, grp_v, sem, b, v[_RING + b])
        return 0

    lax.fori_loop(0, _BPW // _RING, round_body, 0)
    pltpu.sync_copy(rows_v, out_hbm.at[pl.ds(base, _BPW)])


@jax.jit
def _embed(x, wt_t, pos_table):
    mesh = plsc.VectorSubcoreMesh(core_axis_name="c", subcore_axis_name="s")
    return pl.kernel(
        _body,
        out_type=jax.ShapeDtypeStruct((CTX, DIM), jnp.float32),
        mesh=mesh,
        scratch_types=[
            pltpu.VMEM((_BPW + _LANES,), jnp.int32),
            pltpu.VMEM((_RING * DIM, 128), jnp.float32),
            pltpu.VMEM((_BPW, DIM), jnp.float32),
            pltpu.SemaphoreType.DMA,
        ],
        compiler_params=pltpu.CompilerParams(needs_layout_passes=False),
    )(x, wt_t, pos_table)


def kernel(x, word_table, pos_table):
    return _embed(x, word_table.T, pos_table)

# --- scband reference (transcript-rebuilt; emitter-appended) ---
"""Pipeline reference for scband-embedding-layer-6476810682704 (READ-ONLY COPY).

The authoritative reference and input builder live on the scoring server;
editing this copy changes nothing except your own understanding.
"""

import jax, jax.numpy as jnp
import numpy as np

VOCAB = 1000000
DIM = 64
CTX = 8192

def setup_inputs(seed: int = 0) -> dict:
    key = jax.random.key(seed)
    k1, k2, k3 = jax.random.split(key, 3)
    x = jax.random.randint(k1, (CTX,), 0, VOCAB, dtype=jnp.int32)
    word_table = jax.random.normal(k2, (VOCAB, DIM), dtype=jnp.float32)
    pos_table = jax.random.normal(k3, (CTX, DIM), dtype=jnp.float32)
    return {"x": x, "word_table": word_table, "pos_table": pos_table}

def reference(x, word_table, pos_table):
    word_embedding = jnp.take(word_table, x, axis=0)
    pos_idx = jnp.arange(x.shape[0])
    pos_embedding = jnp.take(pos_table, pos_idx, axis=0)
    return word_embedding + pos_embedding

if __name__ == "__main__":
    import jax
    _d = setup_inputs()
    print(jax.jit(kernel)(*tuple(_d.values())))

</pallas_src>

<mosaic_0001>
#map = affine_map<(d0, d1) -> (0)>
#map1 = affine_map<(d0, d1) -> (0, 0)>
module attributes {stable_mosaic.version = 14 : i64} {
  func.func @_body(%arg0: i32, %arg1: i32, %arg2: memref<8192xi32, #tpu.memory_space<hbm>>, %arg3: memref<64x1000000xf32, #tpu.memory_space<hbm>>, %arg4: memref<8192x64xf32, #tpu.memory_space<hbm>>, %arg5: memref<8192x64xf32, #tpu.memory_space<hbm>>, %arg6: memref<272xi32, #tpu.memory_space<vmem>>, %arg7: memref<512x128xf32, #tpu.memory_space<vmem>>, %arg8: memref<256x64xf32, #tpu.memory_space<vmem>>, %arg9: memref<!tpu.dma_semaphore, #tpu.memory_space<semaphore_mem>>) attributes {dimension_semantics = [#tpu.dimension_semantics<core_parallel>, #tpu.dimension_semantics<subcore_parallel>], iteration_bounds = array<i64: 2, 16>, scalar_prefetch = 0 : i64, scratch_operands = 4 : i64, tpu.core_type = #tpu.core_type<sc_vector_subcore>, window_params = [{transform_indices = #map}, {transform_indices = #map1}, {transform_indices = #map1}, {transform_indices = #map1}]} {
    %mul3A = arith.constant 2 : i32
    %mul3A_0 = arith.muli %arg1, %mul3A : i32
    %add3A = arith.addi %mul3A_0, %arg0 : i32
    %mul3A_1 = arith.constant 256 : i32
    %mul3A_2 = arith.muli %add3A, %mul3A_1 : i32
    "tpu.region"() ({
      %run_scoped3A = tpu.sem_alloc : memref<!tpu.dma_semaphore, #tpu.memory_space<semaphore_mem>>
      %dma_start3A_149 = arith.constant 0 : i32
      %dma_start3A_150 = tpu.memref_slice %arg6[%dma_start3A_149] : memref<272xi32, #tpu.memory_space<vmem>> -> memref<256xi32, #tpu.memory_space<vmem>>
      %dma_start3A_151 = tpu.memref_slice %arg2[%mul3A_2] : memref<8192xi32, #tpu.memory_space<hbm>> -> memref<256xi32, #tpu.memory_space<hbm>>
      %dma_start3A_152 = arith.constant 0 : i32
      %dma_start3A_153 = tpu.memref_slice %arg6[%dma_start3A_152] : memref<272xi32, #tpu.memory_space<vmem>> -> memref<256xi32, #tpu.memory_space<vmem>>
      %dma_start3A_154 = tpu.memref_slice %arg2[%mul3A_2] : memref<8192xi32, #tpu.memory_space<hbm>> -> memref<256xi32, #tpu.memory_space<hbm>>
      tpu.enqueue_dma source(%dma_start3A_154 : memref<256xi32, #tpu.memory_space<hbm>>) target(%dma_start3A_153 : memref<256xi32, #tpu.memory_space<vmem>>) target_semaphore(%run_scoped3A : memref<!tpu.dma_semaphore, #tpu.memory_space<semaphore_mem>>)
      %dma_wait3A = arith.constant 0 : i32
      %dma_wait3A_155 = tpu.memref_slice %arg6[%dma_wait3A] : memref<272xi32, #tpu.memory_space<vmem>> -> memref<256xi32, #tpu.memory_space<vmem>>
      %dma_wait3A_156 = tpu.memref_slice %arg2[%mul3A_2] : memref<8192xi32, #tpu.memory_space<hbm>> -> memref<256xi32, #tpu.memory_space<hbm>>
      %dma_wait3A_157 = arith.constant 0 : i32
      %dma_wait3A_158 = tpu.memref_slice %arg6[%dma_wait3A_157] : memref<272xi32, #tpu.memory_space<vmem>> -> memref<256xi32, #tpu.memory_space<vmem>>
      %dma_wait3A_159 = tpu.memref_slice %arg2[%mul3A_2] : memref<8192xi32, #tpu.memory_space<hbm>> -> memref<256xi32, #tpu.memory_space<hbm>>
      tpu.wait_dma2 semaphore(%run_scoped3A : memref<!tpu.dma_semaphore, #tpu.memory_space<semaphore_mem>>) src(%dma_wait3A_159 : memref<256xi32, #tpu.memory_space<hbm>>) dst(%dma_wait3A_158 : memref<256xi32, #tpu.memory_space<vmem>>)
      tpu.yield
    }) : () -> ()
    "tpu.region"() ({
      %run_scoped3A = tpu.sem_alloc : memref<!tpu.dma_semaphore, #tpu.memory_space<semaphore_mem>>
      %dma_start3A_149 = arith.constant 0 : i32
      %dma_start3A_150 = tpu.memref_slice %arg4[%mul3A_2, %dma_start3A_149] : memref<8192x64xf32, #tpu.memory_space<hbm>> -> memref<256x64xf32, #tpu.memory_space<hbm>>
      %dma_start3A_151 = arith.constant 0 : i32
      %dma_start3A_152 = tpu.memref_slice %arg4[%mul3A_2, %dma_start3A_151] : memref<8192x64xf32, #tpu.memory_space<hbm>> -> memref<256x64xf32, #tpu.memory_space<hbm>>
      tpu.enqueue_dma source(%dma_start3A_152 : memref<256x64xf32, #tpu.memory_space<hbm>>) target(%arg8 : memref<256x64xf32, #tpu.memory_space<vmem>>) target_semaphore(%run_scoped3A : memref<!tpu.dma_semaphore, #tpu.memory_space<semaphore_mem>>)
      %dma_wait3A = arith.constant 0 : i32
      %dma_wait3A_153 = tpu.memref_slice %arg4[%mul3A_2, %dma_wait3A] : memref<8192x64xf32, #tpu.memory_space<hbm>> -> memref<256x64xf32, #tpu.memory_space<hbm>>
      %dma_wait3A_154 = arith.constant 0 : i32
      %dma_wait3A_155 = tpu.memref_slice %arg4[%mul3A_2, %dma_wait3A_154] : memref<8192x64xf32, #tpu.memory_space<hbm>> -> memref<256x64xf32, #tpu.memory_space<hbm>>
      tpu.wait_dma2 semaphore(%run_scoped3A : memref<!tpu.dma_semaphore, #tpu.memory_space<semaphore_mem>>) src(%dma_wait3A_155 : memref<256x64xf32, #tpu.memory_space<hbm>>) dst(%arg8 : memref<256x64xf32, #tpu.memory_space<vmem>>)
      tpu.yield
    }) : () -> ()
    %iota3A = tpu.iota {dimensions = array<i32: 0>} : vector<16xi32>
    %add3A_3 = arith.constant 0 : i32
    %add3A_4 = vector.broadcast %add3A_3 : i32 to vector<16xi32>
    %add3A_5 = arith.addi %iota3A, %add3A_4 : vector<16xi32>
    %iota3A_6 = tpu.iota {dimensions = array<i32: 0>} : vector<16xi32>
    %add3A_7 = arith.constant 16 : i32
    %add3A_8 = vector.broadcast %add3A_7 : i32 to vector<16xi32>
    %add3A_9 = arith.addi %iota3A_6, %add3A_8 : vector<16xi32>
    %iota3A_10 = tpu.iota {dimensions = array<i32: 0>} : vector<16xi32>
    %add3A_11 = arith.constant 32 : i32
    %add3A_12 = vector.broadcast %add3A_11 : i32 to vector<16xi32>
    %add3A_13 = arith.addi %iota3A_10, %add3A_12 : vector<16xi32>
    %iota3A_14 = tpu.iota {dimensions = array<i32: 0>} : vector<16xi32>
    %add3A_15 = arith.constant 48 : i32
    %add3A_16 = vector.broadcast %add3A_15 : i32 to vector<16xi32>
    %add3A_17 = arith.addi %iota3A_14, %add3A_16 : vector<16xi32>
    %get3A = arith.constant 0 : index
    %get3A_18 = tpu.vector_load %arg6[%get3A] {strides = array<i32>} : memref<272xi32, #tpu.memory_space<vmem>>, vector<16xi32>,
    %slice3A = vector.extract_strided_slice %get3A_18 {offsets = [0], sizes = [1], strides = [1]} : vector<16xi32> to vector<1xi32>
    %squeeze3A = vector.extract %slice3A[0] : i32 from vector<1xi32>
    %shift_right_arithmetic3A = arith.constant 7 : i32
    %shift_right_arithmetic3A_19 = arith.shrsi %squeeze3A, %shift_right_arithmetic3A : i32
    %mul3A_20 = arith.constant 128 : i32
    %mul3A_21 = arith.muli %shift_right_arithmetic3A_19, %mul3A_20 : i32
    %dma_start3A = arith.constant 0 : i32
    %dma_start3A_22 = arith.constant 0 : i32
    %dma_start3A_23 = tpu.memref_slice %arg7[%dma_start3A, %dma_start3A_22] : memref<512x128xf32, #tpu.memory_space<vmem>> -> memref<64x128xf32, #tpu.memory_space<vmem>>
    %dma_start3A_24 = arith.constant 0 : i32
    %dma_start3A_25 = tpu.memref_slice %arg3[%dma_start3A_24, %mul3A_21] : memref<64x1000000xf32, #tpu.memory_space<hbm>> -> memref<64x128xf32, #tpu.memory_space<hbm>>
    %dma_start3A_26 = arith.constant 0 : i32
    %dma_start3A_27 = arith.constant 0 : i32
    %dma_start3A_28 = tpu.memref_slice %arg7[%dma_start3A_26, %dma_start3A_27] : memref<512x128xf32, #tpu.memory_space<vmem>> -> memref<64x128xf32, #tpu.memory_space<vmem>>
    %dma_start3A_29 = arith.constant 0 : i32
    %dma_start3A_30 = tpu.memref_slice %arg3[%dma_start3A_29, %mul3A_21] : memref<64x1000000xf32, #tpu.memory_space<hbm>> -> memref<64x128xf32, #tpu.memory_space<hbm>>
    tpu.enqueue_dma source(%dma_start3A_30 : memref<64x128xf32, #tpu.memory_space<hbm>>) target(%dma_start3A_28 : memref<64x128xf32, #tpu.memory_space<vmem>>) target_semaphore(%arg9 : memref<!tpu.dma_semaphore, #tpu.memory_space<semaphore_mem>>)
    %slice3A_31 = vector.extract_strided_slice %get3A_18 {offsets = [1], sizes = [1], strides = [1]} : vector<16xi32> to vector<1xi32>
    %squeeze3A_32 = vector.extract %slice3A_31[0] : i32 from vector<1xi32>
    %shift_right_arithmetic3A_33 = arith.constant 7 : i32
    %shift_right_arithmetic3A_34 = arith.shrsi %squeeze3A_32, %shift_right_arithmetic3A_33 : i32
    %mul3A_35 = arith.constant 128 : i32
    %mul3A_36 = arith.muli %shift_right_arithmetic3A_34, %mul3A_35 : i32
    %dma_start3A_37 = arith.constant 64 : i32
    %dma_start3A_38 = arith.constant 0 : i32
    %dma_start3A_39 = tpu.memref_slice %arg7[%dma_start3A_37, %dma_start3A_38] : memref<512x128xf32, #tpu.memory_space<vmem>> -> memref<64x128xf32, #tpu.memory_space<vmem>>
    %dma_start3A_40 = arith.constant 0 : i32
    %dma_start3A_41 = tpu.memref_slice %arg3[%dma_start3A_40, %mul3A_36] : memref<64x1000000xf32, #tpu.memory_space<hbm>> -> memref<64x128xf32, #tpu.memory_space<hbm>>
    %dma_start3A_42 = arith.constant 64 : i32
    %dma_start3A_43 = arith.constant 0 : i32
    %dma_start3A_44 = tpu.memref_slice %arg7[%dma_start3A_42, %dma_start3A_43] : memref<512x128xf32, #tpu.memory_space<vmem>> -> memref<64x128xf32, #tpu.memory_space<vmem>>
    %dma_start3A_45 = arith.constant 0 : i32
    %dma_start3A_46 = tpu.memref_slice %arg3[%dma_start3A_45, %mul3A_36] : memref<64x1000000xf32, #tpu.memory_space<hbm>> -> memref<64x128xf32, #tpu.memory_space<hbm>>
    tpu.enqueue_dma source(%dma_start3A_46 : memref<64x128xf32, #tpu.memory_space<hbm>>) target(%dma_start3A_44 : memref<64x128xf32, #tpu.memory_space<vmem>>) target_semaphore(%arg9 : memref<!tpu.dma_semaphore, #tpu.memory_space<semaphore_mem>>)
    %slice3A_47 = vector.extract_strided_slice %get3A_18 {offsets = [2], sizes = [1], strides = [1]} : vector<16xi32> to vector<1xi32>
    %squeeze3A_48 = vector.extract %slice3A_47[0] : i32 from vector<1xi32>
    %shift_right_arithmetic3A_49 = arith.constant 7 : i32
    %shift_right_arithmetic3A_50 = arith.shrsi %squeeze3A_48, %shift_right_arithmetic3A_49 : i32
    %mul3A_51 = arith.constant 128 : i32
    %mul3A_52 = arith.muli %shift_right_arithmetic3A_50, %mul3A_51 : i32
    %dma_start3A_53 = arith.constant 128 : i32
    %dma_start3A_54 = arith.constant 0 : i32
    %dma_start3A_55 = tpu.memref_slice %arg7[%dma_start3A_53, %dma_start3A_54] : memref<512x128xf32, #tpu.memory_space<vmem>> -> memref<64x128xf32, #tpu.memory_space<vmem>>
    %dma_start3A_56 = arith.constant 0 : i32
    %dma_start3A_57 = tpu.memref_slice %arg3[%dma_start3A_56, %mul3A_52] : memref<64x1000000xf32, #tpu.memory_space<hbm>> -> memref<64x128xf32, #tpu.memory_space<hbm>>
    %dma_start3A_58 = arith.constant 128 : i32
    %dma_start3A_59 = arith.constant 0 : i32
    %dma_start3A_60 = tpu.memref_slice %arg7[%dma_start3A_58, %dma_start3A_59] : memref<512x128xf32, #tpu.memory_space<vmem>> -> memref<64x128xf32, #tpu.memory_space<vmem>>
    %dma_start3A_61 = arith.constant 0 : i32
    %dma_start3A_62 = tpu.memref_slice %arg3[%dma_start3A_61, %mul3A_52] : memref<64x1000000xf32, #tpu.memory_space<hbm>> -> memref<64x128xf32, #tpu.memory_space<hbm>>
    tpu.enqueue_dma source(%dma_start3A_62 : memref<64x128xf32, #tpu.memory_space<hbm>>) target(%dma_start3A_60 : memref<64x128xf32, #tpu.memory_space<vmem>>) target_semaphore(%arg9 : memref<!tpu.dma_semaphore, #tpu.memory_space<semaphore_mem>>)
    %slice3A_63 = vector.extract_strided_slice %get3A_18 {offsets = [3], sizes = [1], strides = [1]} : vector<16xi32> to vector<1xi32>
    %squeeze3A_64 = vector.extract %slice3A_63[0] : i32 from vector<1xi32>
    %shift_right_arithmetic3A_65 = arith.constant 7 : i32
    %shift_right_arithmetic3A_66 = arith.shrsi %squeeze3A_64, %shift_right_arithmetic3A_65 : i32
    %mul3A_67 = arith.constant 128 : i32
    %mul3A_68 = arith.muli %shift_right_arithmetic3A_66, %mul3A_67 : i32
    %dma_start3A_69 = arith.constant 192 : i32
    %dma_start3A_70 = arith.constant 0 : i32
    %dma_start3A_71 = tpu.memref_slice %arg7[%dma_start3A_69, %dma_start3A_70] : memref<512x128xf32, #tpu.memory_space<vmem>> -> memref<64x128xf32, #tpu.memory_space<vmem>>
    %dma_start3A_72 = arith.constant 0 : i32
    %dma_start3A_73 = tpu.memref_slice %arg3[%dma_start3A_72, %mul3A_68] : memref<64x1000000xf32, #tpu.memory_space<hbm>> -> memref<64x128xf32, #tpu.memory_space<hbm>>
    %dma_start3A_74 = arith.constant 192 : i32
    %dma_start3A_75 = arith.constant 0 : i32
    %dma_start3A_76 = tpu.memref_slice %arg7[%dma_start3A_74, %dma_start3A_75] : memref<512x128xf32, #tpu.memory_space<vmem>> -> memref<64x128xf32, #tpu.memory_space<vmem>>
    %dma_start3A_77 = arith.constant 0 : i32
    %dma_start3A_78 = tpu.memref_slice %arg3[%dma_start3A_77, %mul3A_68] : memref<64x1000000xf32, #tpu.memory_space<hbm>> -> memref<64x128xf32, #tpu.memory_space<hbm>>
    tpu.enqueue_dma source(%dma_start3A_78 : memref<64x128xf32, #tpu.memory_space<hbm>>) target(%dma_start3A_76 : memref<64x128xf32, #tpu.memory_space<vmem>>) target_semaphore(%arg9 : memref<!tpu.dma_semaphore, #tpu.memory_space<semaphore_mem>>)
    %slice3A_79 = vector.extract_strided_slice %get3A_18 {offsets = [4], sizes = [1], strides = [1]} : vector<16xi32> to vector<1xi32>
    %squeeze3A_80 = vector.extract %slice3A_79[0] : i32 from vector<1xi32>
    %shift_right_arithmetic3A_81 = arith.constant 7 : i32
    %shift_right_arithmetic3A_82 = arith.shrsi %squeeze3A_80, %shift_right_arithmetic3A_81 : i32
    %mul3A_83 = arith.constant 128 : i32
    %mul3A_84 = arith.muli %shift_right_arithmetic3A_82, %mul3A_83 : i32
    %dma_start3A_85 = arith.constant 256 : i32
    %dma_start3A_86 = arith.constant 0 : i32
    %dma_start3A_87 = tpu.memref_slice %arg7[%dma_start3A_85, %dma_start3A_86] : memref<512x128xf32, #tpu.memory_space<vmem>> -> memref<64x128xf32, #tpu.memory_space<vmem>>
    %dma_start3A_88 = arith.constant 0 : i32
    %dma_start3A_89 = tpu.memref_slice %arg3[%dma_start3A_88, %mul3A_84] : memref<64x1000000xf32, #tpu.memory_space<hbm>> -> memref<64x128xf32, #tpu.memory_space<hbm>>
    %dma_start3A_90 = arith.constant 256 : i32
    %dma_start3A_91 = arith.constant 0 : i32
    %dma_start3A_92 = tpu.memref_slice %arg7[%dma_start3A_90, %dma_start3A_91] : memref<512x128xf32, #tpu.memory_space<vmem>> -> memref<64x128xf32, #tpu.memory_space<vmem>>
    %dma_start3A_93 = arith.constant 0 : i32
    %dma_start3A_94 = tpu.memref_slice %arg3[%dma_start3A_93, %mul3A_84] : memref<64x1000000xf32, #tpu.memory_space<hbm>> -> memref<64x128xf32, #tpu.memory_space<hbm>>
    tpu.enqueue_dma source(%dma_start3A_94 : memref<64x128xf32, #tpu.memory_space<hbm>>) target(%dma_start3A_92 : memref<64x128xf32, #tpu.memory_space<vmem>>) target_semaphore(%arg9 : memref<!tpu.dma_semaphore, #tpu.memory_space<semaphore_mem>>)
    %slice3A_95 = vector.extract_strided_slice %get3A_18 {offsets = [5], sizes = [1], strides = [1]} : vector<16xi32> to vector<1xi32>
    %squeeze3A_96 = vector.extract %slice3A_95[0] : i32 from vector<1xi32>
    %shift_right_arithmetic3A_97 = arith.constant 7 : i32
    %shift_right_arithmetic3A_98 = arith.shrsi %squeeze3A_96, %shift_right_arithmetic3A_97 : i32
    %mul3A_99 = arith.constant 128 : i32
    %mul3A_100 = arith.muli %shift_right_arithmetic3A_98, %mul3A_99 : i32
    %dma_start3A_101 = arith.constant 320 : i32
    %dma_start3A_102 = arith.constant 0 : i32
    %dma_start3A_103 = tpu.memref_slice %arg7[%dma_start3A_101, %dma_start3A_102] : memref<512x128xf32, #tpu.memory_space<vmem>> -> memref<64x128xf32, #tpu.memory_space<vmem>>
    %dma_start3A_104 = arith.constant 0 : i32
    %dma_start3A_105 = tpu.memref_slice %arg3[%dma_start3A_104, %mul3A_100] : memref<64x1000000xf32, #tpu.memory_space<hbm>> -> memref<64x128xf32, #tpu.memory_space<hbm>>
    %dma_start3A_106 = arith.constant 320 : i32
    %dma_start3A_107 = arith.constant 0 : i32
    %dma_start3A_108 = tpu.memref_slice %arg7[%dma_start3A_106, %dma_start3A_107] : memref<512x128xf32, #tpu.memory_space<vmem>> -> memref<64x128xf32, #tpu.memory_space<vmem>>
    %dma_start3A_109 = arith.constant 0 : i32
    %dma_start3A_110 = tpu.memref_slice %arg3[%dma_start3A_109, %mul3A_100] : memref<64x1000000xf32, #tpu.memory_space<hbm>> -> memref<64x128xf32, #tpu.memory_space<hbm>>
    tpu.enqueue_dma source(%dma_start3A_110 : memref<64x128xf32, #tpu.memory_space<hbm>>) target(%dma_start3A_108 : memref<64x128xf32, #tpu.memory_space<vmem>>) target_semaphore(%arg9 : memref<!tpu.dma_semaphore, #tpu.memory_space<semaphore_mem>>)
    %slice3A_111 = vector.extract_strided_slice %get3A_18 {offsets = [6], sizes = [1], strides = [1]} : vector<16xi32> to vector<1xi32>
    %squeeze3A_112 = vector.extract %slice3A_111[0] : i32 from vector<1xi32>
    %shift_right_arithmetic3A_113 = arith.constant 7 : i32
    %shift_right_arithmetic3A_114 = arith.shrsi %squeeze3A_112, %shift_right_arithmetic3A_113 : i32
    %mul3A_115 = arith.constant 128 : i32
    %mul3A_116 = arith.muli %shift_right_arithmetic3A_114, %mul3A_115 : i32
    %dma_start3A_117 = arith.constant 384 : i32
    %dma_start3A_118 = arith.constant 0 : i32
    %dma_start3A_119 = tpu.memref_slice %arg7[%dma_start3A_117, %dma_start3A_118] : memref<512x128xf32, #tpu.memory_space<vmem>> -> memref<64x128xf32, #tpu.memory_space<vmem>>
    %dma_start3A_120 = arith.constant 0 : i32
    %dma_start3A_121 = tpu.memref_slice %arg3[%dma_start3A_120, %mul3A_116] : memref<64x1000000xf32, #tpu.memory_space<hbm>> -> memref<64x128xf32, #tpu.memory_space<hbm>>
    %dma_start3A_122 = arith.constant 384 : i32
    %dma_start3A_123 = arith.constant 0 : i32
    %dma_start3A_124 = tpu.memref_slice %arg7[%dma_start3A_122, %dma_start3A_123] : memref<512x128xf32, #tpu.memory_space<vmem>> -> memref<64x128xf32, #tpu.memory_space<vmem>>
    %dma_start3A_125 = arith.constant 0 : i32
    %dma_start3A_126 = tpu.memref_slice %arg3[%dma_start3A_125, %mul3A_116] : memref<64x1000000xf32, #tpu.memory_space<hbm>> -> memref<64x128xf32, #tpu.memory_space<hbm>>
    tpu.enqueue_dma source(%dma_start3A_126 : memref<64x128xf32, #tpu.memory_space<hbm>>) target(%dma_start3A_124 : memref<64x128xf32, #tpu.memory_space<vmem>>) target_semaphore(%arg9 : memref<!tpu.dma_semaphore, #tpu.memory_space<semaphore_mem>>)
    %slice3A_127 = vector.extract_strided_slice %get3A_18 {offsets = [7], sizes = [1], strides = [1]} : vector<16xi32> to vector<1xi32>
    %squeeze3A_128 = vector.extract %slice3A_127[0] : i32 from vector<1xi32>
    %shift_right_arithmetic3A_129 = arith.constant 7 : i32
    %shift_right_arithmetic3A_130 = arith.shrsi %squeeze3A_128, %shift_right_arithmetic3A_129 : i32
    %mul3A_131 = arith.constant 128 : i32
    %mul3A_132 = arith.muli %shift_right_arithmetic3A_130, %mul3A_131 : i32
    %dma_start3A_133 = arith.constant 448 : i32
    %dma_start3A_134 = arith.constant 0 : i32
    %dma_start3A_135 = tpu.memref_slice %arg7[%dma_start3A_133, %dma_start3A_134] : memref<512x128xf32, #tpu.memory_space<vmem>> -> memref<64x128xf32, #tpu.memory_space<vmem>>
    %dma_start3A_136 = arith.constant 0 : i32
    %dma_start3A_137 = tpu.memref_slice %arg3[%dma_start3A_136, %mul3A_132] : memref<64x1000000xf32, #tpu.memory_space<hbm>> -> memref<64x128xf32, #tpu.memory_space<hbm>>
    %dma_start3A_138 = arith.constant 448 : i32
    %dma_start3A_139 = arith.constant 0 : i32
    %dma_start3A_140 = tpu.memref_slice %arg7[%dma_start3A_138, %dma_start3A_139] : memref<512x128xf32, #tpu.memory_space<vmem>> -> memref<64x128xf32, #tpu.memory_space<vmem>>
    %dma_start3A_141 = arith.constant 0 : i32
    %dma_start3A_142 = tpu.memref_slice %arg3[%dma_start3A_141, %mul3A_132] : memref<64x1000000xf32, #tpu.memory_space<hbm>> -> memref<64x128xf32, #tpu.memory_space<hbm>>
    tpu.enqueue_dma source(%dma_start3A_142 : memref<64x128xf32, #tpu.memory_space<hbm>>) target(%dma_start3A_140 : memref<64x128xf32, #tpu.memory_space<vmem>>) target_semaphore(%arg9 : memref<!tpu.dma_semaphore, #tpu.memory_space<semaphore_mem>>)
    %scan3A = arith.constant 0 : i32
    %scan3A_143 = arith.constant 0 : i32
    %scan3A_144 = arith.constant 32 : i32
    %scan3A_145 = arith.addi %scan3A_143, %scan3A_144 : i32
    %scan3A_146 = arith.constant 1 : i32
    %scan3A_147 = scf.for %scan3A_149 = %scan3A_143 to %scan3A_145 step %scan3A_146 iter_args(%scan3A_150 = %scan3A) -> (i32)  : i32 {
      %mul3A_151 = arith.constant 8 : i32
      %mul3A_152 = arith.muli %scan3A_149, %mul3A_151 : i32
      %get3A_153 = arith.index_cast %mul3A_152 : i32 to index
      %get3A_154 = tpu.vector_load %arg6[%get3A_153] {strides = array<i32>} : memref<272xi32, #tpu.memory_space<vmem>>, vector<16xi32>,
      %mul3A_155 = arith.constant 8 : i32
      %mul3A_156 = arith.muli %scan3A_149, %mul3A_155 : i32
      %add3A_157 = arith.constant 0 : i32
      %add3A_158 = arith.addi %mul3A_156, %add3A_157 : i32
      %slice3A_159 = vector.extract_strided_slice %get3A_154 {offsets = [0], sizes = [1], strides = [1]} : vector<16xi32> to vector<1xi32>
      %squeeze3A_160 = vector.extract %slice3A_159[0] : i32 from vector<1xi32>
      %dma_wait3A = arith.constant 0 : i32
      %dma_wait3A_161 = arith.constant 0 : i32
      %dma_wait3A_162 = tpu.memref_slice %arg7[%dma_wait3A, %dma_wait3A_161] : memref<512x128xf32, #tpu.memory_space<vmem>> -> memref<64x128xf32, #tpu.memory_space<vmem>>
      %dma_wait3A_163 = arith.constant 0 : i32
      %dma_wait3A_164 = arith.constant 0 : i32
      %dma_wait3A_165 = tpu.memref_slice %arg3[%dma_wait3A_163, %dma_wait3A_164] : memref<64x1000000xf32, #tpu.memory_space<hbm>> -> memref<64x128xf32, #tpu.memory_space<hbm>>
      %dma_wait3A_166 = arith.constant 0 : i32
      %dma_wait3A_167 = arith.constant 0 : i32
      %dma_wait3A_168 = tpu.memref_slice %arg7[%dma_wait3A_166, %dma_wait3A_167] : memref<512x128xf32, #tpu.memory_space<vmem>> -> memref<64x128xf32, #tpu.memory_space<vmem>>
      %dma_wait3A_169 = arith.constant 0 : i32
      %dma_wait3A_170 = arith.constant 0 : i32
      %dma_wait3A_171 = tpu.memref_slice %arg3[%dma_wait3A_169, %dma_wait3A_170] : memref<64x1000000xf32, #tpu.memory_space<hbm>> -> memref<64x128xf32, #tpu.memory_space<hbm>>
      tpu.wait_dma2 semaphore(%arg9 : memref<!tpu.dma_semaphore, #tpu.memory_space<semaphore_mem>>) src(%dma_wait3A_171 : memref<64x128xf32, #tpu.memory_space<hbm>>) dst(%dma_wait3A_168 : memref<64x128xf32, #tpu.memory_space<vmem>>)
      %and3A = arith.constant 127 : i32
      %and3A_172 = arith.andi %squeeze3A_160, %and3A : i32
      %broadcast_in_dim3A = vector.broadcast %and3A_172 : i32 to vector<16xi32>
      %add3A_173 = arith.constant 0 : i32
      %add3A_174 = vector.broadcast %add3A_173 : i32 to vector<16xi32>
      %add3A_175 = arith.addi %add3A_5, %add3A_174 : vector<16xi32>
      %gather3A = tpu.vector_load_idx %arg7[%add3A_175, %broadcast_in_dim3A] : memref<512x128xf32, #tpu.memory_space<vmem>>[vector<16xi32>, vector<16xi32>], vector<16xf32>,
      %get3A_176 = arith.index_cast %add3A_158 : i32 to index
      %get3A_177 = arith.constant 0 : index
      %get3A_178 = tpu.vector_load %arg8[%get3A_176, %get3A_177] {strides = array<i32>} : memref<256x64xf32, #tpu.memory_space<vmem>>, vector<16xf32>,
      %add3A_179 = arith.addf %get3A_178, %gather3A : vector<16xf32>
      %swap3A = arith.index_cast %add3A_158 : i32 to index
      %swap3A_180 = arith.constant 0 : index
      %swap3A_181 = tpu.vector_load %arg8[%swap3A, %swap3A_180] {strides = array<i32>} : memref<256x64xf32, #tpu.memory_space<vmem>>, vector<16xf32>,
      tpu.vector_store %arg8[%swap3A, %swap3A_180], %add3A_179 {strides = array<i32>} : memref<256x64xf32, #tpu.memory_space<vmem>>, vector<16xf32>,
      %add3A_182 = arith.constant 0 : i32
      %add3A_183 = vector.broadcast %add3A_182 : i32 to vector<16xi32>
      %add3A_184 = arith.addi %add3A_9, %add3A_183 : vector<16xi32>
      %gather3A_185 = tpu.vector_load_idx %arg7[%add3A_184, %broadcast_in_dim3A] : memref<512x128xf32, #tpu.memory_space<vmem>>[vector<16xi32>, vector<16xi32>], vector<16xf32>,
      %get3A_186 = arith.index_cast %add3A_158 : i32 to index
      %get3A_187 = arith.constant 16 : index
      %get3A_188 = tpu.vector_load %arg8[%get3A_186, %get3A_187] {strides = array<i32>} : memref<256x64xf32, #tpu.memory_space<vmem>>, vector<16xf32>,
      %add3A_189 = arith.addf %get3A_188, %gather3A_185 : vector<16xf32>
      %swap3A_190 = arith.index_cast %add3A_158 : i32 to index
      %swap3A_191 = arith.constant 16 : index
      %swap3A_192 = tpu.vector_load %arg8[%swap3A_190, %swap3A_191] {strides = array<i32>} : memref<256x64xf32, #tpu.memory_space<vmem>>, vector<16xf32>,
      tpu.vector_store %arg8[%swap3A_190, %swap3A_191], %add3A_189 {strides = array<i32>} : memref<256x64xf32, #tpu.memory_space<vmem>>, vector<16xf32>,
      %add3A_193 = arith.constant 0 : i32
      %add3A_194 = vector.broadcast %add3A_193 : i32 to vector<16xi32>
      %add3A_195 = arith.addi %add3A_13, %add3A_194 : vector<16xi32>
      %gather3A_196 = tpu.vector_load_idx %arg7[%add3A_195, %broadcast_in_dim3A] : memref<512x128xf32, #tpu.memory_space<vmem>>[vector<16xi32>, vector<16xi32>], vector<16xf32>,
      %get3A_197 = arith.index_cast %add3A_158 : i32 to index
      %get3A_198 = arith.constant 32 : index
      %get3A_199 = tpu.vector_load %arg8[%get3A_197, %get3A_198] {strides = array<i32>} : memref<256x64xf32, #tpu.memory_space<vmem>>, vector<16xf32>,
      %add3A_200 = arith.addf %get3A_199, %gather3A_196 : vector<16xf32>
      %swap3A_201 = arith.index_cast %add3A_158 : i32 to index
      %swap3A_202 = arith.constant 32 : index
      %swap3A_203 = tpu.vector_load %arg8[%swap3A_201, %swap3A_202] {strides = array<i32>} : memref<256x64xf32, #tpu.memory_space<vmem>>, vector<16xf32>,
      tpu.vector_store %arg8[%swap3A_201, %swap3A_202], %add3A_200 {strides = array<i32>} : memref<256x64xf32, #tpu.memory_space<vmem>>, vector<16xf32>,
      %add3A_204 = arith.constant 0 : i32
      %add3A_205 = vector.broadcast %add3A_204 : i32 to vector<16xi32>
      %add3A_206 = arith.addi %add3A_17, %add3A_205 : vector<16xi32>
      %gather3A_207 = tpu.vector_load_idx %arg7[%add3A_206, %broadcast_in_dim3A] : memref<512x128xf32, #tpu.memory_space<vmem>>[vector<16xi32>, vector<16xi32>], vector<16xf32>,
      %get3A_208 = arith.index_cast %add3A_158 : i32 to index
      %get3A_209 = arith.constant 48 : index
      %get3A_210 = tpu.vector_load %arg8[%get3A_208, %get3A_209] {strides = array<i32>} : memref<256x64xf32, #tpu.memory_space<vmem>>, vector<16xf32>,
      %add3A_211 = arith.addf %get3A_210, %gather3A_207 : vector<16xf32>
      %swap3A_212 = arith.index_cast %add3A_158 : i32 to index
      %swap3A_213 = arith.constant 48 : index
      %swap3A_214 = tpu.vector_load %arg8[%swap3A_212, %swap3A_213] {strides = array<i32>} : memref<256x64xf32, #tpu.memory_space<vmem>>, vector<16xf32>,
      tpu.vector_store %arg8[%swap3A_212, %swap3A_213], %add3A_211 {strides = array<i32>} : memref<256x64xf32, #tpu.memory_space<vmem>>, vector<16xf32>,
      %mul3A_215 = arith.constant 8 : i32
      %mul3A_216 = arith.muli %scan3A_149, %mul3A_215 : i32
      %add3A_217 = arith.constant 1 : i32
      %add3A_218 = arith.addi %mul3A_216, %add3A_217 : i32
      %slice3A_219 = vector.extract_strided_slice %get3A_154 {offsets = [1], sizes = [1], strides = [1]} : vector<16xi32> to vector<1xi32>
      %squeeze3A_220 = vector.extract %slice3A_219[0] : i32 from vector<1xi32>
      %dma_wait3A_221 = arith.constant 64 : i32
      %dma_wait3A_222 = arith.constant 0 : i32
      %dma_wait3A_223 = tpu.memref_slice %arg7[%dma_wait3A_221, %dma_wait3A_222] : memref<512x128xf32, #tpu.memory_space<vmem>> -> memref<64x128xf32, #tpu.memory_space<vmem>>
      %dma_wait3A_224 = arith.constant 0 : i32
      %dma_wait3A_225 = arith.constant 0 : i32
      %dma_wait3A_226 = tpu.memref_slice %arg3[%dma_wait3A_224, %dma_wait3A_225] : memref<64x1000000xf32, #tpu.memory_space<hbm>> -> memref<64x128xf32, #tpu.memory_space<hbm>>
      %dma_wait3A_227 = arith.constant 64 : i32
      %dma_wait3A_228 = arith.constant 0 : i32
      %dma_wait3A_229 = tpu.memref_slice %arg7[%dma_wait3A_227, %dma_wait3A_228] : memref<512x128xf32, #tpu.memory_space<vmem>> -> memref<64x128xf32, #tpu.memory_space<vmem>>
      %dma_wait3A_230 = arith.constant 0 : i32
      %dma_wait3A_231 = arith.constant 0 : i32
      %dma_wait3A_232 = tpu.memref_slice %arg3[%dma_wait3A_230, %dma_wait3A_231] : memref<64x1000000xf32, #tpu.memory_space<hbm>> -> memref<64x128xf32, #tpu.memory_space<hbm>>
      tpu.wait_dma2 semaphore(%arg9 : memref<!tpu.dma_semaphore, #tpu.memory_space<semaphore_mem>>) src(%dma_wait3A_232 : memref<64x128xf32, #tpu.memory_space<hbm>>) dst(%dma_wait3A_229 : memref<64x128xf32, #tpu.memory_space<vmem>>)
      %and3A_233 = arith.constant 127 : i32
      %and3A_234 = arith.andi %squeeze3A_220, %and3A_233 : i32
      %broadcast_in_dim3A_235 = vector.broadcast %and3A_234 : i32 to vector<16xi32>
      %add3A_236 = arith.constant 64 : i32
      %add3A_237 = vector.broadcast %add3A_236 : i32 to vector<16xi32>
      %add3A_238 = arith.addi %add3A_5, %add3A_237 : vector<16xi32>
      %gather3A_239 = tpu.vector_load_idx %arg7[%add3A_238, %broadcast_in_dim3A_235] : memref<512x128xf32, #tpu.memory_space<vmem>>[vector<16xi32>, vector<16xi32>], vector<16xf32>,
      %get3A_240 = arith.index_cast %add3A_218 : i32 to index
      %get3A_241 = arith.constant 0 : index
      %get3A_242 = tpu.vector_load %arg8[%get3A_240, %get3A_241] {strides = array<i32>} : memref<256x64xf32, #tpu.memory_space<vmem>>, vector<16xf32>,
      %add3A_243 = arith.addf %get3A_242, %gather3A_239 : vector<16xf32>
      %swap3A_244 = arith.index_cast %add3A_218 : i32 to index
      %swap3A_245 = arith.constant 0 : index
      %swap3A_246 = tpu.vector_load %arg8[%swap3A_244, %swap3A_245] {strides = array<i32>} : memref<256x64xf32, #tpu.memory_space<vmem>>, vector<16xf32>,
      tpu.vector_store %arg8[%swap3A_244, %swap3A_245], %add3A_243 {strides = array<i32>} : memref<256x64xf32, #tpu.memory_space<vmem>>, vector<16xf32>,
      %add3A_247 = arith.constant 64 : i32
      %add3A_248 = vector.broadcast %add3A_247 : i32 to vector<16xi32>
      %add3A_249 = arith.addi %add3A_9, %add3A_248 : vector<16xi32>
      %gather3A_250 = tpu.vector_load_idx %arg7[%add3A_249, %broadcast_in_dim3A_235] : memref<512x128xf32, #tpu.memory_space<vmem>>[vector<16xi32>, vector<16xi32>], vector<16xf32>,
      %get3A_251 = arith.index_cast %add3A_218 : i32 to index
      %get3A_252 = arith.constant 16 : index
      %get3A_253 = tpu.vector_load %arg8[%get3A_251, %get3A_252] {strides = array<i32>} : memref<256x64xf32, #tpu.memory_space<vmem>>, vector<16xf32>,
      %add3A_254 = arith.addf %get3A_253, %gather3A_250 : vector<16xf32>
      %swap3A_255 = arith.index_cast %add3A_218 : i32 to index
      %swap3A_256 = arith.constant 16 : index
      %swap3A_257 = tpu.vector_load %arg8[%swap3A_255, %swap3A_256] {strides = array<i32>} : memref<256x64xf32, #tpu.memory_space<vmem>>, vector<16xf32>,
      tpu.vector_store %arg8[%swap3A_255, %swap3A_256], %add3A_254 {strides = array<i32>} : memref<256x64xf32, #tpu.memory_space<vmem>>, vector<16xf32>,
      %add3A_258 = arith.constant 64 : i32
      %add3A_259 = vector.broadcast %add3A_258 : i32 to vector<16xi32>
      %add3A_260 = arith.addi %add3A_13, %add3A_259 : vector<16xi32>
      %gather3A_261 = tpu.vector_load_idx %arg7[%add3A_260, %broadcast_in_dim3A_235] : memref<512x128xf32, #tpu.memory_space<vmem>>[vector<16xi32>, vector<16xi32>], vector<16xf32>,
      %get3A_262 = arith.index_cast %add3A_218 : i32 to index
      %get3A_263 = arith.constant 32 : index
      %get3A_264 = tpu.vector_load %arg8[%get3A_262, %get3A_263] {strides = array<i32>} : memref<256x64xf32, #tpu.memory_space<vmem>>, vector<16xf32>,
      %add3A_265 = arith.addf %get3A_264, %gather3A_261 : vector<16xf32>
      %swap3A_266 = arith.index_cast %add3A_218 : i32 to index
      %swap3A_267 = arith.constant 32 : index
      %swap3A_268 = tpu.vector_load %arg8[%swap3A_266, %swap3A_267] {strides = array<i32>} : memref<256x64xf32, #tpu.memory_space<vmem>>, vector<16xf32>,
      tpu.vector_store %arg8[%swap3A_266, %swap3A_267], %add3A_265 {strides = array<i32>} : memref<256x64xf32, #tpu.memory_space<vmem>>, vector<16xf32>,
      %add3A_269 = arith.constant 64 : i32
      %add3A_270 = vector.broadcast %add3A_269 : i32 to vector<16xi32>
      %add3A_271 = arith.addi %add3A_17, %add3A_270 : vector<16xi32>
      %gather3A_272 = tpu.vector_load_idx %arg7[%add3A_271, %broadcast_in_dim3A_235] : memref<512x128xf32, #tpu.memory_space<vmem>>[vector<16xi32>, vector<16xi32>], vector<16xf32>,
      %get3A_273 = arith.index_cast %add3A_218 : i32 to index
      %get3A_274 = arith.constant 48 : index
      %get3A_275 = tpu.vector_load %arg8[%get3A_273, %get3A_274] {strides = array<i32>} : memref<256x64xf32, #tpu.memory_space<vmem>>, vector<16xf32>,
      %add3A_276 = arith.addf %get3A_275, %gather3A_272 : vector<16xf32>
      %swap3A_277 = arith.index_cast %add3A_218 : i32 to index
      %swap3A_278 = arith.constant 48 : index
      %swap3A_279 = tpu.vector_load %arg8[%swap3A_277, %swap3A_278] {strides = array<i32>} : memref<256x64xf32, #tpu.memory_space<vmem>>, vector<16xf32>,
      tpu.vector_store %arg8[%swap3A_277, %swap3A_278], %add3A_276 {strides = array<i32>} : memref<256x64xf32, #tpu.memory_space<vmem>>, vector<16xf32>,
      %mul3A_280 = arith.constant 8 : i32
      %mul3A_281 = arith.muli %scan3A_149, %mul3A_280 : i32
      %add3A_282 = arith.constant 2 : i32
      %add3A_283 = arith.addi %mul3A_281, %add3A_282 : i32
      %slice3A_284 = vector.extract_strided_slice %get3A_154 {offsets = [2], sizes = [1], strides = [1]} : vector<16xi32> to vector<1xi32>
      %squeeze3A_285 = vector.extract %slice3A_284[0] : i32 from vector<1xi32>
      %dma_wait3A_286 = arith.constant 128 : i32
      %dma_wait3A_287 = arith.constant 0 : i32
      %dma_wait3A_288 = tpu.memref_slice %arg7[%dma_wait3A_286, %dma_wait3A_287] : memref<512x128xf32, #tpu.memory_space<vmem>> -> memref<64x128xf32, #tpu.memory_space<vmem>>
      %dma_wait3A_289 = arith.constant 0 : i32
      %dma_wait3A_290 = arith.constant 0 : i32
      %dma_wait3A_291 = tpu.memref_slice %arg3[%dma_wait3A_289, %dma_wait3A_290] : memref<64x1000000xf32, #tpu.memory_space<hbm>> -> memref<64x128xf32, #tpu.memory_space<hbm>>
      %dma_wait3A_292 = arith.constant 128 : i32
      %dma_wait3A_293 = arith.constant 0 : i32
      %dma_wait3A_294 = tpu.memref_slice %arg7[%dma_wait3A_292, %dma_wait3A_293] : memref<512x128xf32, #tpu.memory_space<vmem>> -> memref<64x128xf32, #tpu.memory_space<vmem>>
      %dma_wait3A_295 = arith.constant 0 : i32
      %dma_wait3A_296 = arith.constant 0 : i32
      %dma_wait3A_297 = tpu.memref_slice %arg3[%dma_wait3A_295, %dma_wait3A_296] : memref<64x1000000xf32, #tpu.memory_space<hbm>> -> memref<64x128xf32, #tpu.memory_space<hbm>>
      tpu.wait_dma2 semaphore(%arg9 : memref<!tpu.dma_semaphore, #tpu.memory_space<semaphore_mem>>) src(%dma_wait3A_297 : memref<64x128xf32, #tpu.memory_space<hbm>>) dst(%dma_wait3A_294 : memref<64x128xf32, #tpu.memory_space<vmem>>)
      %and3A_298 = arith.constant 127 : i32
      %and3A_299 = arith.andi %squeeze3A_285, %and3A_298 : i32
      %broadcast_in_dim3A_300 = vector.broadcast %and3A_299 : i32 to vector<16xi32>
      %add3A_301 = arith.constant 128 : i32
      %add3A_302 = vector.broadcast %add3A_301 : i32 to vector<16xi32>
      %add3A_303 = arith.addi %add3A_5, %add3A_302 : vector<16xi32>
      %gather3A_304 = tpu.vector_load_idx %arg7[%add3A_303, %broadcast_in_dim3A_300] : memref<512x128xf32, #tpu.memory_space<vmem>>[vector<16xi32>, vector<16xi32>], vector<16xf32>,
      %get3A_305 = arith.index_cast %add3A_283 : i32 to index
      %get3A_306 = arith.constant 0 : index
      %get3A_307 = tpu.vector_load %arg8[%get3A_305, %get3A_306] {strides = array<i32>} : memref<256x64xf32, #tpu.memory_space<vmem>>, vector<16xf32>,
      %add3A_308 = arith.addf %get3A_307, %gather3A_304 : vector<16xf32>
      %swap3A_309 = arith.index_cast %add3A_283 : i32 to index
      %swap3A_310 = arith.constant 0 : index
      %swap3A_311 = tpu.vector_load %arg8[%swap3A_309, %swap3A_310] {strides = array<i32>} : memref<256x64xf32, #tpu.memory_space<vmem>>, vector<16xf32>,
      tpu.vector_store %arg8[%swap3A_309, %swap3A_310], %add3A_308 {strides = array<i32>} : memref<256x64xf32, #tpu.memory_space<vmem>>, vector<16xf32>,
      %add3A_312 = arith.constant 128 : i32
      %add3A_313 = vector.broadcast %add3A_312 : i32 to vector<16xi32>
      %add3A_314 = arith.addi %add3A_9, %add3A_313 : vector<16xi32>
      %gather3A_315 = tpu.vector_load_idx %arg7[%add3A_314, %broadcast_in_dim3A_300] : memref<512x128xf32, #tpu.memory_space<vmem>>[vector<16xi32>, vector<16xi32>], vector<16xf32>,
      %get3A_316 = arith.index_cast %add3A_283 : i32 to index
      %get3A_317 = arith.constant 16 : index
      %get3A_318 = tpu.vector_load %arg8[%get3A_316, %get3A_317] {strides = array<i32>} : memref<256x64xf32, #tpu.memory_space<vmem>>, vector<16xf32>,
      %add3A_319 = arith.addf %get3A_318, %gather3A_315 : vector<16xf32>
      %swap3A_320 = arith.index_cast %add3A_283 : i32 to index
      %swap3A_321 = arith.constant 16 : index
      %swap3A_322 = tpu.vector_load %arg8[%swap3A_320, %swap3A_321] {strides = array<i32>} : memref<256x64xf32, #tpu.memory_space<vmem>>, vector<16xf32>,
      tpu.vector_store %arg8[%swap3A_320, %swap3A_321], %add3A_319 {strides = array<i32>} : memref<256x64xf32, #tpu.memory_space<vmem>>, vector<16xf32>,
      %add3A_323 = arith.constant 128 : i32
      %add3A_324 = vector.broadcast %add3A_323 : i32 to vector<16xi32>
      %add3A_325 = arith.addi %add3A_13, %add3A_324 : vector<16xi32>
      %gather3A_326 = tpu.vector_load_idx %arg7[%add3A_325, %broadcast_in_dim3A_300] : memref<512x128xf32, #tpu.memory_space<vmem>>[vector<16xi32>, vector<16xi32>], vector<16xf32>,
      %get3A_327 = arith.index_cast %add3A_283 : i32 to index
      %get3A_328 = arith.constant 32 : index
      %get3A_329 = tpu.vector_load %arg8[%get3A_327, %get3A_328] {strides = array<i32>} : memref<256x64xf32, #tpu.memory_space<vmem>>, vector<16xf32>,
      %add3A_330 = arith.addf %get3A_329, %gather3A_326 : vector<16xf32>
      %swap3A_331 = arith.index_cast %add3A_283 : i32 to index
      %swap3A_332 = arith.constant 32 : index
      %swap3A_333 = tpu.vector_load %arg8[%swap3A_331, %swap3A_332] {strides = array<i32>} : memref<256x64xf32, #tpu.memory_space<vmem>>, vector<16xf32>,
      tpu.vector_store %arg8[%swap3A_331, %swap3A_332], %add3A_330 {strides = array<i32>} : memref<256x64xf32, #tpu.memory_space<vmem>>, vector<16xf32>,
      %add3A_334 = arith.constant 128 : i32
      %add3A_335 = vector.broadcast %add3A_334 : i32 to vector<16xi32>
      %add3A_336 = arith.addi %add3A_17, %add3A_335 : vector<16xi32>
      %gather3A_337 = tpu.vector_load_idx %arg7[%add3A_336, %broadcast_in_dim3A_300] : memref<512x128xf32, #tpu.memory_space<vmem>>[vector<16xi32>, vector<16xi32>], vector<16xf32>,
      %get3A_338 = arith.index_cast %add3A_283 : i32 to index
      %get3A_339 = arith.constant 48 : index
      %get3A_340 = tpu.vector_load %arg8[%get3A_338, %get3A_339] {strides = array<i32>} : memref<256x64xf32, #tpu.memory_space<vmem>>, vector<16xf32>,
      %add3A_341 = arith.addf %get3A_340, %gather3A_337 : vector<16xf32>
      %swap3A_342 = arith.index_cast %add3A_283 : i32 to index
      %swap3A_343 = arith.constant 48 : index
      %swap3A_344 = tpu.vector_load %arg8[%swap3A_342, %swap3A_343] {strides = array<i32>} : memref<256x64xf32, #tpu.memory_space<vmem>>, vector<16xf32>,
      tpu.vector_store %arg8[%swap3A_342, %swap3A_343], %add3A_341 {strides = array<i32>} : memref<256x64xf32, #tpu.memory_space<vmem>>, vector<16xf32>,
      %mul3A_345 = arith.constant 8 : i32
      %mul3A_346 = arith.muli %scan3A_149, %mul3A_345 : i32
      %add3A_347 = arith.constant 3 : i32
      %add3A_348 = arith.addi %mul3A_346, %add3A_347 : i32
      %slice3A_349 = vector.extract_strided_slice %get3A_154 {offsets = [3], sizes = [1], strides = [1]} : vector<16xi32> to vector<1xi32>
      %squeeze3A_350 = vector.extract %slice3A_349[0] : i32 from vector<1xi32>
      %dma_wait3A_351 = arith.constant 192 : i32
      %dma_wait3A_352 = arith.constant 0 : i32
      %dma_wait3A_353 = tpu.memref_slice %arg7[%dma_wait3A_351, %dma_wait3A_352] : memref<512x128xf32, #tpu.memory_space<vmem>> -> memref<64x128xf32, #tpu.memory_space<vmem>>
      %dma_wait3A_354 = arith.constant 0 : i32
      %dma_wait3A_355 = arith.constant 0 : i32
      %dma_wait3A_356 = tpu.memref_slice %arg3[%dma_wait3A_354, %dma_wait3A_355] : memref<64x1000000xf32, #tpu.memory_space<hbm>> -> memref<64x128xf32, #tpu.memory_space<hbm>>
      %dma_wait3A_357 = arith.constant 192 : i32
      %dma_wait3A_358 = arith.constant 0 : i32
      %dma_wait3A_359 = tpu.memref_slice %arg7[%dma_wait3A_357, %dma_wait3A_358] : memref<512x128xf32, #tpu.memory_space<vmem>> -> memref<64x128xf32, #tpu.memory_space<vmem>>
      %dma_wait3A_360 = arith.constant 0 : i32
      %dma_wait3A_361 = arith.constant 0 : i32
      %dma_wait3A_362 = tpu.memref_slice %arg3[%dma_wait3A_360, %dma_wait3A_361] : memref<64x1000000xf32, #tpu.memory_space<hbm>> -> memref<64x128xf32, #tpu.memory_space<hbm>>
      tpu.wait_dma2 semaphore(%arg9 : memref<!tpu.dma_semaphore, #tpu.memory_space<semaphore_mem>>) src(%dma_wait3A_362 : memref<64x128xf32, #tpu.memory_space<hbm>>) dst(%dma_wait3A_359 : memref<64x128xf32, #tpu.memory_space<vmem>>)
      %and3A_363 = arith.constant 127 : i32
      %and3A_364 = arith.andi %squeeze3A_350, %and3A_363 : i32
      %broadcast_in_dim3A_365 = vector.broadcast %and3A_364 : i32 to vector<16xi32>
      %add3A_366 = arith.constant 192 : i32
      %add3A_367 = vector.broadcast %add3A_366 : i32 to vector<16xi32>
      %add3A_368 = arith.addi %add3A_5, %add3A_367 : vector<16xi32>
      %gather3A_369 = tpu.vector_load_idx %arg7[%add3A_368, %broadcast_in_dim3A_365] : memref<512x128xf32, #tpu.memory_space<vmem>>[vector<16xi32>, vector<16xi32>], vector<16xf32>,
      %get3A_370 = arith.index_cast %add3A_348 : i32 to index
      %get3A_371 = arith.constant 0 : index
      %get3A_372 = tpu.vector_load %arg8[%get3A_370, %get3A_371] {strides = array<i32>} : memref<256x64xf32, #tpu.memory_space<vmem>>, vector<16xf32>,
      %add3A_373 = arith.addf %get3A_372, %gather3A_369 : vector<16xf32>
      %swap3A_374 = arith.index_cast %add3A_348 : i32 to index
      %swap3A_375 = arith.constant 0 : index
      %swap3A_376 = tpu.vector_load %arg8[%swap3A_374, %swap3A_375] {strides = array<i32>} : memref<256x64xf32, #tpu.memory_space<vmem>>, vector<16xf32>,
      tpu.vector_store %arg8[%swap3A_374, %swap3A_375], %add3A_373 {strides = array<i32>} : memref<256x64xf32, #tpu.memory_space<vmem>>, vector<16xf32>,
      %add3A_377 = arith.constant 192 : i32
      %add3A_378 = vector.broadcast %add3A_377 : i32 to vector<16xi32>
      %add3A_379 = arith.addi %add3A_9, %add3A_378 : vector<16xi32>
      %gather3A_380 = tpu.vector_load_idx %arg7[%add3A_379, %broadcast_in_dim3A_365] : memref<512x128xf32, #tpu.memory_space<vmem>>[vector<16xi32>, vector<16xi32>], vector<16xf32>,
      %get3A_381 = arith.index_cast %add3A_348 : i32 to index
      %get3A_382 = arith.constant 16 : index
      %get3A_383 = tpu.vector_load %arg8[%get3A_381, %get3A_382] {strides = array<i32>} : memref<256x64xf32, #tpu.memory_space<vmem>>, vector<16xf32>,
      %add3A_384 = arith.addf %get3A_383, %gather3A_380 : vector<16xf32>
      %swap3A_385 = arith.index_cast %add3A_348 : i32 to index
      %swap3A_386 = arith.constant 16 : index
      %swap3A_387 = tpu.vector_load %arg8[%swap3A_385, %swap3A_386] {strides = array<i32>} : memref<256x64xf32, #tpu.memory_space<vmem>>, vector<16xf32>,
      tpu.vector_store %arg8[%swap3A_385, %swap3A_386], %add3A_384 {strides = array<i32>} : memref<256x64xf32, #tpu.memory_space<vmem>>, vector<16xf32>,
      %add3A_388 = arith.constant 192 : i32
      %add3A_389 = vector.broadcast %add3A_388 : i32 to vector<16xi32>
      %add3A_390 = arith.addi %add3A_13, %add3A_389 : vector<16xi32>
      %gather3A_391 = tpu.vector_load_idx %arg7[%add3A_390, %broadcast_in_dim3A_365] : memref<512x128xf32, #tpu.memory_space<vmem>>[vector<16xi32>, vector<16xi32>], vector<16xf32>,
      %get3A_392 = arith.index_cast %add3A_348 : i32 to index
      %get3A_393 = arith.constant 32 : index
      %get3A_394 = tpu.vector_load %arg8[%get3A_392, %get3A_393] {strides = array<i32>} : memref<256x64xf32, #tpu.memory_space<vmem>>, vector<16xf32>,
      %add3A_395 = arith.addf %get3A_394, %gather3A_391 : vector<16xf32>
      %swap3A_396 = arith.index_cast %add3A_348 : i32 to index
      %swap3A_397 = arith.constant 32 : index
      %swap3A_398 = tpu.vector_load %arg8[%swap3A_396, %swap3A_397] {strides = array<i32>} : memref<256x64xf32, #tpu.memory_space<vmem>>, vector<16xf32>,
      tpu.vector_store %arg8[%swap3A_396, %swap3A_397], %add3A_395 {strides = array<i32>} : memref<256x64xf32, #tpu.memory_space<vmem>>, vector<16xf32>,
      %add3A_399 = arith.constant 192 : i32
      %add3A_400 = vector.broadcast %add3A_399 : i32 to vector<16xi32>
      %add3A_401 = arith.addi %add3A_17, %add3A_400 : vector<16xi32>
      %gather3A_402 = tpu.vector_load_idx %arg7[%add3A_401, %broadcast_in_dim3A_365] : memref<512x128xf32, #tpu.memory_space<vmem>>[vector<16xi32>, vector<16xi32>], vector<16xf32>,
      %get3A_403 = arith.index_cast %add3A_348 : i32 to index
      %get3A_404 = arith.constant 48 : index
      %get3A_405 = tpu.vector_load %arg8[%get3A_403, %get3A_404] {strides = array<i32>} : memref<256x64xf32, #tpu.memory_space<vmem>>, vector<16xf32>,
      %add3A_406 = arith.addf %get3A_405, %gather3A_402 : vector<16xf32>
      %swap3A_407 = arith.index_cast %add3A_348 : i32 to index
      %swap3A_408 = arith.constant 48 : index
      %swap3A_409 = tpu.vector_load %arg8[%swap3A_407, %swap3A_408] {strides = array<i32>} : memref<256x64xf32, #tpu.memory_space<vmem>>, vector<16xf32>,
      tpu.vector_store %arg8[%swap3A_407, %swap3A_408], %add3A_406 {strides = array<i32>} : memref<256x64xf32, #tpu.memory_space<vmem>>, vector<16xf32>,
      %mul3A_410 = arith.constant 8 : i32
      %mul3A_411 = arith.muli %scan3A_149, %mul3A_410 : i32
      %add3A_412 = arith.constant 4 : i32
      %add3A_413 = arith.addi %mul3A_411, %add3A_412 : i32
      %slice3A_414 = vector.extract_strided_slice %get3A_154 {offsets = [4], sizes = [1], strides = [1]} : vector<16xi32> to vector<1xi32>
      %squeeze3A_415 = vector.extract %slice3A_414[0] : i32 from vector<1xi32>
      %dma_wait3A_416 = arith.constant 256 : i32
      %dma_wait3A_417 = arith.constant 0 : i32
      %dma_wait3A_418 = tpu.memref_slice %arg7[%dma_wait3A_416, %dma_wait3A_417] : memref<512x128xf32, #tpu.memory_space<vmem>> -> memref<64x128xf32, #tpu.memory_space<vmem>>
      %dma_wait3A_419 = arith.constant 0 : i32
      %dma_wait3A_420 = arith.constant 0 : i32
      %dma_wait3A_421 = tpu.memref_slice %arg3[%dma_wait3A_419, %dma_wait3A_420] : memref<64x1000000xf32, #tpu.memory_space<hbm>> -> memref<64x128xf32, #tpu.memory_space<hbm>>
      %dma_wait3A_422 = arith.constant 256 : i32
      %dma_wait3A_423 = arith.constant 0 : i32
      %dma_wait3A_424 = tpu.memref_slice %arg7[%dma_wait3A_422, %dma_wait3A_423] : memref<512x128xf32, #tpu.memory_space<vmem>> -> memref<64x128xf32, #tpu.memory_space<vmem>>
      %dma_wait3A_425 = arith.constant 0 : i32
      %dma_wait3A_426 = arith.constant 0 : i32
      %dma_wait3A_427 = tpu.memref_slice %arg3[%dma_wait3A_425, %dma_wait3A_426] : memref<64x1000000xf32, #tpu.memory_space<hbm>> -> memref<64x128xf32, #tpu.memory_space<hbm>>
      tpu.wait_dma2 semaphore(%arg9 : memref<!tpu.dma_semaphore, #tpu.memory_space<semaphore_mem>>) src(%dma_wait3A_427 : memref<64x128xf32, #tpu.memory_space<hbm>>) dst(%dma_wait3A_424 : memref<64x128xf32, #tpu.memory_space<vmem>>)
      %and3A_428 = arith.constant 127 : i32
      %and3A_429 = arith.andi %squeeze3A_415, %and3A_428 : i32
      %broadcast_in_dim3A_430 = vector.broadcast %and3A_429 : i32 to vector<16xi32>
      %add3A_431 = arith.constant 256 : i32
      %add3A_432 = vector.broadcast %add3A_431 : i32 to vector<16xi32>
      %add3A_433 = arith.addi %add3A_5, %add3A_432 : vector<16xi32>
      %gather3A_434 = tpu.vector_load_idx %arg7[%add3A_433, %broadcast_in_dim3A_430] : memref<512x128xf32, #tpu.memory_space<vmem>>[vector<16xi32>, vector<16xi32>], vector<16xf32>,
      %get3A_435 = arith.index_cast %add3A_413 : i32 to index
      %get3A_436 = arith.constant 0 : index
      %get3A_437 = tpu.vector_load %arg8[%get3A_435, %get3A_436] {strides = array<i32>} : memref<256x64xf32, #tpu.memory_space<vmem>>, vector<16xf32>,
      %add3A_438 = arith.addf %get3A_437, %gather3A_434 : vector<16xf32>
      %swap3A_439 = arith.index_cast %add3A_413 : i32 to index
      %swap3A_440 = arith.constant 0 : index
      %swap3A_441 = tpu.vector_load %arg8[%swap3A_439, %swap3A_440] {strides = array<i32>} : memref<256x64xf32, #tpu.memory_space<vmem>>, vector<16xf32>,
      tpu.vector_store %arg8[%swap3A_439, %swap3A_440], %add3A_438 {strides = array<i32>} : memref<256x64xf32, #tpu.memory_space<vmem>>, vector<16xf32>,
      %add3A_442 = arith.constant 256 : i32
      %add3A_443 = vector.broadcast %add3A_442 : i32 to vector<16xi32>
      %add3A_444 = arith.addi %add3A_9, %add3A_443 : vector<16xi32>
      %gather3A_445 = tpu.vector_load_idx %arg7[%add3A_444, %broadcast_in_dim3A_430] : memref<512x128xf32, #tpu.memory_space<vmem>>[vector<16xi32>, vector<16xi32>], vector<16xf32>,
      %get3A_446 = arith.index_cast %add3A_413 : i32 to index
      %get3A_447 = arith.constant 16 : index
      %get3A_448 = tpu.vector_load %arg8[%get3A_446, %get3A_447] {strides = array<i32>} : memref<256x64xf32, #tpu.memory_space<vmem>>, vector<16xf32>,
      %add3A_449 = arith.addf %get3A_448, %gather3A_445 : vector<16xf32>
      %swap3A_450 = arith.index_cast %add3A_413 : i32 to index
      %swap3A_451 = arith.constant 16 : index
      %swap3A_452 = tpu.vector_load %arg8[%swap3A_450, %swap3A_451] {strides = array<i32>} : memref<256x64xf32, #tpu.memory_space<vmem>>, vector<16xf32>,
      tpu.vector_store %arg8[%swap3A_450, %swap3A_451], %add3A_449 {strides = array<i32>} : memref<256x64xf32, #tpu.memory_space<vmem>>, vector<16xf32>,
      %add3A_453 = arith.constant 256 : i32
      %add3A_454 = vector.broadcast %add3A_453 : i32 to vector<16xi32>
      %add3A_455 = arith.addi %add3A_13, %add3A_454 : vector<16xi32>
      %gather3A_456 = tpu.vector_load_idx %arg7[%add3A_455, %broadcast_in_dim3A_430] : memref<512x128xf32, #tpu.memory_space<vmem>>[vector<16xi32>, vector<16xi32>], vector<16xf32>,
      %get3A_457 = arith.index_cast %add3A_413 : i32 to index
      %get3A_458 = arith.constant 32 : index
      %get3A_459 = tpu.vector_load %arg8[%get3A_457, %get3A_458] {strides = array<i32>} : memref<256x64xf32, #tpu.memory_space<vmem>>, vector<16xf32>,
      %add3A_460 = arith.addf %get3A_459, %gather3A_456 : vector<16xf32>
      %swap3A_461 = arith.index_cast %add3A_413 : i32 to index
      %swap3A_462 = arith.constant 32 : index
      %swap3A_463 = tpu.vector_load %arg8[%swap3A_461, %swap3A_462] {strides = array<i32>} : memref<256x64xf32, #tpu.memory_space<vmem>>, vector<16xf32>,
      tpu.vector_store %arg8[%swap3A_461, %swap3A_462], %add3A_460 {strides = array<i32>} : memref<256x64xf32, #tpu.memory_space<vmem>>, vector<16xf32>,
      %add3A_464 = arith.constant 256 : i32
      %add3A_465 = vector.broadcast %add3A_464 : i32 to vector<16xi32>
      %add3A_466 = arith.addi %add3A_17, %add3A_465 : vector<16xi32>
      %gather3A_467 = tpu.vector_load_idx %arg7[%add3A_466, %broadcast_in_dim3A_430] : memref<512x128xf32, #tpu.memory_space<vmem>>[vector<16xi32>, vector<16xi32>], vector<16xf32>,
      %get3A_468 = arith.index_cast %add3A_413 : i32 to index
      %get3A_469 = arith.constant 48 : index
      %get3A_470 = tpu.vector_load %arg8[%get3A_468, %get3A_469] {strides = array<i32>} : memref<256x64xf32, #tpu.memory_space<vmem>>, vector<16xf32>,
      %add3A_471 = arith.addf %get3A_470, %gather3A_467 : vector<16xf32>
      %swap3A_472 = arith.index_cast %add3A_413 : i32 to index
      %swap3A_473 = arith.constant 48 : index
      %swap3A_474 = tpu.vector_load %arg8[%swap3A_472, %swap3A_473] {strides = array<i32>} : memref<256x64xf32, #tpu.memory_space<vmem>>, vector<16xf32>,
      tpu.vector_store %arg8[%swap3A_472, %swap3A_473], %add3A_471 {strides = array<i32>} : memref<256x64xf32, #tpu.memory_space<vmem>>, vector<16xf32>,
      %mul3A_475 = arith.constant 8 : i32
      %mul3A_476 = arith.muli %scan3A_149, %mul3A_475 : i32
      %add3A_477 = arith.constant 5 : i32
      %add3A_478 = arith.addi %mul3A_476, %add3A_477 : i32
      %slice3A_479 = vector.extract_strided_slice %get3A_154 {offsets = [5], sizes = [1], strides = [1]} : vector<16xi32> to vector<1xi32>
      %squeeze3A_480 = vector.extract %slice3A_479[0] : i32 from vector<1xi32>
      %dma_wait3A_481 = arith.constant 320 : i32
      %dma_wait3A_482 = arith.constant 0 : i32
      %dma_wait3A_483 = tpu.memref_slice %arg7[%dma_wait3A_481, %dma_wait3A_482] : memref<512x128xf32, #tpu.memory_space<vmem>> -> memref<64x128xf32, #tpu.memory_space<vmem>>
      %dma_wait3A_484 = arith.constant 0 : i32
      %dma_wait3A_485 = arith.constant 0 : i32
      %dma_wait3A_486 = tpu.memref_slice %arg3[%dma_wait3A_484, %dma_wait3A_485] : memref<64x1000000xf32, #tpu.memory_space<hbm>> -> memref<64x128xf32, #tpu.memory_space<hbm>>
      %dma_wait3A_487 = arith.constant 320 : i32
      %dma_wait3A_488 = arith.constant 0 : i32
      %dma_wait3A_489 = tpu.memref_slice %arg7[%dma_wait3A_487, %dma_wait3A_488] : memref<512x128xf32, #tpu.memory_space<vmem>> -> memref<64x128xf32, #tpu.memory_space<vmem>>
      %dma_wait3A_490 = arith.constant 0 : i32
      %dma_wait3A_491 = arith.constant 0 : i32
      %dma_wait3A_492 = tpu.memref_slice %arg3[%dma_wait3A_490, %dma_wait3A_491] : memref<64x1000000xf32, #tpu.memory_space<hbm>> -> memref<64x128xf32, #tpu.memory_space<hbm>>
      tpu.wait_dma2 semaphore(%arg9 : memref<!tpu.dma_semaphore, #tpu.memory_space<semaphore_mem>>) src(%dma_wait3A_492 : memref<64x128xf32, #tpu.memory_space<hbm>>) dst(%dma_wait3A_489 : memref<64x128xf32, #tpu.memory_space<vmem>>)
      %and3A_493 = arith.constant 127 : i32
      %and3A_494 = arith.andi %squeeze3A_480, %and3A_493 : i32
      %broadcast_in_dim3A_495 = vector.broadcast %and3A_494 : i32 to vector<16xi32>
      %add3A_496 = arith.constant 320 : i32
      %add3A_497 = vector.broadcast %add3A_496 : i32 to vector<16xi32>
      %add3A_498 = arith.addi %add3A_5, %add3A_497 : vector<16xi32>
      %gather3A_499 = tpu.vector_load_idx %arg7[%add3A_498, %broadcast_in_dim3A_495] : memref<512x128xf32, #tpu.memory_space<vmem>>[vector<16xi32>, vector<16xi32>], vector<16xf32>,
      %get3A_500 = arith.index_cast %add3A_478 : i32 to index
      %get3A_501 = arith.constant 0 : index
      %get3A_502 = tpu.vector_load %arg8[%get3A_500, %get3A_501] {strides = array<i32>} : memref<256x64xf32, #tpu.memory_space<vmem>>, vector<16xf32>,
      %add3A_503 = arith.addf %get3A_502, %gather3A_499 : vector<16xf32>
      %swap3A_504 = arith.index_cast %add3A_478 : i32 to index
      %swap3A_505 = arith.constant 0 : index
      %swap3A_506 = tpu.vector_load %arg8[%swap3A_504, %swap3A_505] {strides = array<i32>} : memref<256x64xf32, #tpu.memory_space<vmem>>, vector<16xf32>,
      tpu.vector_store %arg8[%swap3A_504, %swap3A_505], %add3A_503 {strides = array<i32>} : memref<256x64xf32, #tpu.memory_space<vmem>>, vector<16xf32>,
      %add3A_507 = arith.constant 320 : i32
      %add3A_508 = vector.broadcast %add3A_507 : i32 to vector<16xi32>
      %add3A_509 = arith.addi %add3A_9, %add3A_508 : vector<16xi32>
      %gather3A_510 = tpu.vector_load_idx %arg7[%add3A_509, %broadcast_in_dim3A_495] : memref<512x128xf32, #tpu.memory_space<vmem>>[vector<16xi32>, vector<16xi32>], vector<16xf32>,
      %get3A_511 = arith.index_cast %add3A_478 : i32 to index
      %get3A_512 = arith.constant 16 : index
      %get3A_513 = tpu.vector_load %arg8[%get3A_511, %get3A_512] {strides = array<i32>} : memref<256x64xf32, #tpu.memory_space<vmem>>, vector<16xf32>,
      %add3A_514 = arith.addf %get3A_513, %gather3A_510 : vector<16xf32>
      %swap3A_515 = arith.index_cast %add3A_478 : i32 to index
      %swap3A_516 = arith.constant 16 : index
      %swap3A_517 = tpu.vector_load %arg8[%swap3A_515, %swap3A_516] {strides = array<i32>} : memref<256x64xf32, #tpu.memory_space<vmem>>, vector<16xf32>,
      tpu.vector_store %arg8[%swap3A_515, %swap3A_516], %add3A_514 {strides = array<i32>} : memref<256x64xf32, #tpu.memory_space<vmem>>, vector<16xf32>,
      %add3A_518 = arith.constant 320 : i32
      %add3A_519 = vector.broadcast %add3A_518 : i32 to vector<16xi32>
      %add3A_520 = arith.addi %add3A_13, %add3A_519 : vector<16xi32>
      %gather3A_521 = tpu.vector_load_idx %arg7[%add3A_520, %broadcast_in_dim3A_495] : memref<512x128xf32, #tpu.memory_space<vmem>>[vector<16xi32>, vector<16xi32>], vector<16xf32>,
      %get3A_522 = arith.index_cast %add3A_478 : i32 to index
      %get3A_523 = arith.constant 32 : index
      %get3A_524 = tpu.vector_load %arg8[%get3A_522, %get3A_523] {strides = array<i32>} : memref<256x64xf32, #tpu.memory_space<vmem>>, vector<16xf32>,
      %add3A_525 = arith.addf %get3A_524, %gather3A_521 : vector<16xf32>
      %swap3A_526 = arith.index_cast %add3A_478 : i32 to index
      %swap3A_527 = arith.constant 32 : index
      %swap3A_528 = tpu.vector_load %arg8[%swap3A_526, %swap3A_527] {strides = array<i32>} : memref<256x64xf32, #tpu.memory_space<vmem>>, vector<16xf32>,
      tpu.vector_store %arg8[%swap3A_526, %swap3A_527], %add3A_525 {strides = array<i32>} : memref<256x64xf32, #tpu.memory_space<vmem>>, vector<16xf32>,
      %add3A_529 = arith.constant 320 : i32
      %add3A_530 = vector.broadcast %add3A_529 : i32 to vector<16xi32>
      %add3A_531 = arith.addi %add3A_17, %add3A_530 : vector<16xi32>
      %gather3A_532 = tpu.vector_load_idx %arg7[%add3A_531, %broadcast_in_dim3A_495] : memref<512x128xf32, #tpu.memory_space<vmem>>[vector<16xi32>, vector<16xi32>], vector<16xf32>,
      %get3A_533 = arith.index_cast %add3A_478 : i32 to index
      %get3A_534 = arith.constant 48 : index
      %get3A_535 = tpu.vector_load %arg8[%get3A_533, %get3A_534] {strides = array<i32>} : memref<256x64xf32, #tpu.memory_space<vmem>>, vector<16xf32>,
      %add3A_536 = arith.addf %get3A_535, %gather3A_532 : vector<16xf32>
      %swap3A_537 = arith.index_cast %add3A_478 : i32 to index
      %swap3A_538 = arith.constant 48 : index
      %swap3A_539 = tpu.vector_load %arg8[%swap3A_537, %swap3A_538] {strides = array<i32>} : memref<256x64xf32, #tpu.memory_space<vmem>>, vector<16xf32>,
      tpu.vector_store %arg8[%swap3A_537, %swap3A_538], %add3A_536 {strides = array<i32>} : memref<256x64xf32, #tpu.memory_space<vmem>>, vector<16xf32>,
      %mul3A_540 = arith.constant 8 : i32
      %mul3A_541 = arith.muli %scan3A_149, %mul3A_540 : i32
      %add3A_542 = arith.constant 6 : i32
      %add3A_543 = arith.addi %mul3A_541, %add3A_542 : i32
      %slice3A_544 = vector.extract_strided_slice %get3A_154 {offsets = [6], sizes = [1], strides = [1]} : vector<16xi32> to vector<1xi32>
      %squeeze3A_545 = vector.extract %slice3A_544[0] : i32 from vector<1xi32>
      %dma_wait3A_546 = arith.constant 384 : i32
      %dma_wait3A_547 = arith.constant 0 : i32
      %dma_wait3A_548 = tpu.memref_slice %arg7[%dma_wait3A_546, %dma_wait3A_547] : memref<512x128xf32, #tpu.memory_space<vmem>> -> memref<64x128xf32, #tpu.memory_space<vmem>>
      %dma_wait3A_549 = arith.constant 0 : i32
      %dma_wait3A_550 = arith.constant 0 : i32
      %dma_wait3A_551 = tpu.memref_slice %arg3[%dma_wait3A_549, %dma_wait3A_550] : memref<64x1000000xf32, #tpu.memory_space<hbm>> -> memref<64x128xf32, #tpu.memory_space<hbm>>
      %dma_wait3A_552 = arith.constant 384 : i32
      %dma_wait3A_553 = arith.constant 0 : i32
      %dma_wait3A_554 = tpu.memref_slice %arg7[%dma_wait3A_552, %dma_wait3A_553] : memref<512x128xf32, #tpu.memory_space<vmem>> -> memref<64x128xf32, #tpu.memory_space<vmem>>
      %dma_wait3A_555 = arith.constant 0 : i32
      %dma_wait3A_556 = arith.constant 0 : i32
      %dma_wait3A_557 = tpu.memref_slice %arg3[%dma_wait3A_555, %dma_wait3A_556] : memref<64x1000000xf32, #tpu.memory_space<hbm>> -> memref<64x128xf32, #tpu.memory_space<hbm>>
      tpu.wait_dma2 semaphore(%arg9 : memref<!tpu.dma_semaphore, #tpu.memory_space<semaphore_mem>>) src(%dma_wait3A_557 : memref<64x128xf32, #tpu.memory_space<hbm>>) dst(%dma_wait3A_554 : memref<64x128xf32, #tpu.memory_space<vmem>>)
      %and3A_558 = arith.constant 127 : i32
      %and3A_559 = arith.andi %squeeze3A_545, %and3A_558 : i32
      %broadcast_in_dim3A_560 = vector.broadcast %and3A_559 : i32 to vector<16xi32>
      %add3A_561 = arith.constant 384 : i32
      %add3A_562 = vector.broadcast %add3A_561 : i32 to vector<16xi32>
      %add3A_563 = arith.addi %add3A_5, %add3A_562 : vector<16xi32>
      %gather3A_564 = tpu.vector_load_idx %arg7[%add3A_563, %broadcast_in_dim3A_560] : memref<512x128xf32, #tpu.memory_space<vmem>>[vector<16xi32>, vector<16xi32>], vector<16xf32>,
      %get3A_565 = arith.index_cast %add3A_543 : i32 to index
      %get3A_566 = arith.constant 0 : index
      %get3A_567 = tpu.vector_load %arg8[%get3A_565, %get3A_566] {strides = array<i32>} : memref<256x64xf32, #tpu.memory_space<vmem>>, vector<16xf32>,
      %add3A_568 = arith.addf %get3A_567, %gather3A_564 : vector<16xf32>
      %swap3A_569 = arith.index_cast %add3A_543 : i32 to index
      %swap3A_570 = arith.constant 0 : index
      %swap3A_571 = tpu.vector_load %arg8[%swap3A_569, %swap3A_570] {strides = array<i32>} : memref<256x64xf32, #tpu.memory_space<vmem>>, vector<16xf32>,
      tpu.vector_store %arg8[%swap3A_569, %swap3A_570], %add3A_568 {strides = array<i32>} : memref<256x64xf32, #tpu.memory_space<vmem>>, vector<16xf32>,
      %add3A_572 = arith.constant 384 : i32
      %add3A_573 = vector.broadcast %add3A_572 : i32 to vector<16xi32>
      %add3A_574 = arith.addi %add3A_9, %add3A_573 : vector<16xi32>
      %gather3A_575 = tpu.vector_load_idx %arg7[%add3A_574, %broadcast_in_dim3A_560] : memref<512x128xf32, #tpu.memory_space<vmem>>[vector<16xi32>, vector<16xi32>], vector<16xf32>,
      %get3A_576 = arith.index_cast %add3A_543 : i32 to index
      %get3A_577 = arith.constant 16 : index
      %get3A_578 = tpu.vector_load %arg8[%get3A_576, %get3A_577] {strides = array<i32>} : memref<256x64xf32, #tpu.memory_space<vmem>>, vector<16xf32>,
      %add3A_579 = arith.addf %get3A_578, %gather3A_575 : vector<16xf32>
      %swap3A_580 = arith.index_cast %add3A_543 : i32 to index
      %swap3A_581 = arith.constant 16 : index
      %swap3A_582 = tpu.vector_load %arg8[%swap3A_580, %swap3A_581] {strides = array<i32>} : memref<256x64xf32, #tpu.memory_space<vmem>>, vector<16xf32>,
      tpu.vector_store %arg8[%swap3A_580, %swap3A_581], %add3A_579 {strides = array<i32>} : memref<256x64xf32, #tpu.memory_space<vmem>>, vector<16xf32>,
      %add3A_583 = arith.constant 384 : i32
      %add3A_584 = vector.broadcast %add3A_583 : i32 to vector<16xi32>
      %add3A_585 = arith.addi %add3A_13, %add3A_584 : vector<16xi32>
      %gather3A_586 = tpu.vector_load_idx %arg7[%add3A_585, %broadcast_in_dim3A_560] : memref<512x128xf32, #tpu.memory_space<vmem>>[vector<16xi32>, vector<16xi32>], vector<16xf32>,
      %get3A_587 = arith.index_cast %add3A_543 : i32 to index
      %get3A_588 = arith.constant 32 : index
      %get3A_589 = tpu.vector_load %arg8[%get3A_587, %get3A_588] {strides = array<i32>} : memref<256x64xf32, #tpu.memory_space<vmem>>, vector<16xf32>,
      %add3A_590 = arith.addf %get3A_589, %gather3A_586 : vector<16xf32>
      %swap3A_591 = arith.index_cast %add3A_543 : i32 to index
      %swap3A_592 = arith.constant 32 : index
      %swap3A_593 = tpu.vector_load %arg8[%swap3A_591, %swap3A_592] {strides = array<i32>} : memref<256x64xf32, #tpu.memory_space<vmem>>, vector<16xf32>,
      tpu.vector_store %arg8[%swap3A_591, %swap3A_592], %add3A_590 {strides = array<i32>} : memref<256x64xf32, #tpu.memory_space<vmem>>, vector<16xf32>,
      %add3A_594 = arith.constant 384 : i32
      %add3A_595 = vector.broadcast %add3A_594 : i32 to vector<16xi32>
      %add3A_596 = arith.addi %add3A_17, %add3A_595 : vector<16xi32>
      %gather3A_597 = tpu.vector_load_idx %arg7[%add3A_596, %broadcast_in_dim3A_560] : memref<512x128xf32, #tpu.memory_space<vmem>>[vector<16xi32>, vector<16xi32>], vector<16xf32>,
      %get3A_598 = arith.index_cast %add3A_543 : i32 to index
      %get3A_599 = arith.constant 48 : index
      %get3A_600 = tpu.vector_load %arg8[%get3A_598, %get3A_599] {strides = array<i32>} : memref<256x64xf32, #tpu.memory_space<vmem>>, vector<16xf32>,
      %add3A_601 = arith.addf %get3A_600, %gather3A_597 : vector<16xf32>
      %swap3A_602 = arith.index_cast %add3A_543 : i32 to index
      %swap3A_603 = arith.constant 48 : index
      %swap3A_604 = tpu.vector_load %arg8[%swap3A_602, %swap3A_603] {strides = array<i32>} : memref<256x64xf32, #tpu.memory_space<vmem>>, vector<16xf32>,
      tpu.vector_store %arg8[%swap3A_602, %swap3A_603], %add3A_601 {strides = array<i32>} : memref<256x64xf32, #tpu.memory_space<vmem>>, vector<16xf32>,
      %mul3A_605 = arith.constant 8 : i32
      %mul3A_606 = arith.muli %scan3A_149, %mul3A_605 : i32
      %add3A_607 = arith.constant 7 : i32
      %add3A_608 = arith.addi %mul3A_606, %add3A_607 : i32
      %slice3A_609 = vector.extract_strided_slice %get3A_154 {offsets = [7], sizes = [1], strides = [1]} : vector<16xi32> to vector<1xi32>
      %squeeze3A_610 = vector.extract %slice3A_609[0] : i32 from vector<1xi32>
      %dma_wait3A_611 = arith.constant 448 : i32
      %dma_wait3A_612 = arith.constant 0 : i32
      %dma_wait3A_613 = tpu.memref_slice %arg7[%dma_wait3A_611, %dma_wait3A_612] : memref<512x128xf32, #tpu.memory_space<vmem>> -> memref<64x128xf32, #tpu.memory_space<vmem>>
      %dma_wait3A_614 = arith.constant 0 : i32
      %dma_wait3A_615 = arith.constant 0 : i32
      %dma_wait3A_616 = tpu.memref_slice %arg3[%dma_wait3A_614, %dma_wait3A_615] : memref<64x1000000xf32, #tpu.memory_space<hbm>> -> memref<64x128xf32, #tpu.memory_space<hbm>>
      %dma_wait3A_617 = arith.constant 448 : i32
      %dma_wait3A_618 = arith.constant 0 : i32
      %dma_wait3A_619 = tpu.memref_slice %arg7[%dma_wait3A_617, %dma_wait3A_618] : memref<512x128xf32, #tpu.memory_space<vmem>> -> memref<64x128xf32, #tpu.memory_space<vmem>>
      %dma_wait3A_620 = arith.constant 0 : i32
      %dma_wait3A_621 = arith.constant 0 : i32
      %dma_wait3A_622 = tpu.memref_slice %arg3[%dma_wait3A_620, %dma_wait3A_621] : memref<64x1000000xf32, #tpu.memory_space<hbm>> -> memref<64x128xf32, #tpu.memory_space<hbm>>
      tpu.wait_dma2 semaphore(%arg9 : memref<!tpu.dma_semaphore, #tpu.memory_space<semaphore_mem>>) src(%dma_wait3A_622 : memref<64x128xf32, #tpu.memory_space<hbm>>) dst(%dma_wait3A_619 : memref<64x128xf32, #tpu.memory_space<vmem>>)
      %and3A_623 = arith.constant 127 : i32
      %and3A_624 = arith.andi %squeeze3A_610, %and3A_623 : i32
      %broadcast_in_dim3A_625 = vector.broadcast %and3A_624 : i32 to vector<16xi32>
      %add3A_626 = arith.constant 448 : i32
      %add3A_627 = vector.broadcast %add3A_626 : i32 to vector<16xi32>
      %add3A_628 = arith.addi %add3A_5, %add3A_627 : vector<16xi32>
      %gather3A_629 = tpu.vector_load_idx %arg7[%add3A_628, %broadcast_in_dim3A_625] : memref<512x128xf32, #tpu.memory_space<vmem>>[vector<16xi32>, vector<16xi32>], vector<16xf32>,
      %get3A_630 = arith.index_cast %add3A_608 : i32 to index
      %get3A_631 = arith.constant 0 : index
      %get3A_632 = tpu.vector_load %arg8[%get3A_630, %get3A_631] {strides = array<i32>} : memref<256x64xf32, #tpu.memory_space<vmem>>, vector<16xf32>,
      %add3A_633 = arith.addf %get3A_632, %gather3A_629 : vector<16xf32>
      %swap3A_634 = arith.index_cast %add3A_608 : i32 to index
      %swap3A_635 = arith.constant 0 : index
      %swap3A_636 = tpu.vector_load %arg8[%swap3A_634, %swap3A_635] {strides = array<i32>} : memref<256x64xf32, #tpu.memory_space<vmem>>, vector<16xf32>,
      tpu.vector_store %arg8[%swap3A_634, %swap3A_635], %add3A_633 {strides = array<i32>} : memref<256x64xf32, #tpu.memory_space<vmem>>, vector<16xf32>,
      %add3A_637 = arith.constant 448 : i32
      %add3A_638 = vector.broadcast %add3A_637 : i32 to vector<16xi32>
      %add3A_639 = arith.addi %add3A_9, %add3A_638 : vector<16xi32>
      %gather3A_640 = tpu.vector_load_idx %arg7[%add3A_639, %broadcast_in_dim3A_625] : memref<512x128xf32, #tpu.memory_space<vmem>>[vector<16xi32>, vector<16xi32>], vector<16xf32>,
      %get3A_641 = arith.index_cast %add3A_608 : i32 to index
      %get3A_642 = arith.constant 16 : index
      %get3A_643 = tpu.vector_load %arg8[%get3A_641, %get3A_642] {strides = array<i32>} : memref<256x64xf32, #tpu.memory_space<vmem>>, vector<16xf32>,
      %add3A_644 = arith.addf %get3A_643, %gather3A_640 : vector<16xf32>
      %swap3A_645 = arith.index_cast %add3A_608 : i32 to index
      %swap3A_646 = arith.constant 16 : index
      %swap3A_647 = tpu.vector_load %arg8[%swap3A_645, %swap3A_646] {strides = array<i32>} : memref<256x64xf32, #tpu.memory_space<vmem>>, vector<16xf32>,
      tpu.vector_store %arg8[%swap3A_645, %swap3A_646], %add3A_644 {strides = array<i32>} : memref<256x64xf32, #tpu.memory_space<vmem>>, vector<16xf32>,
      %add3A_648 = arith.constant 448 : i32
      %add3A_649 = vector.broadcast %add3A_648 : i32 to vector<16xi32>
      %add3A_650 = arith.addi %add3A_13, %add3A_649 : vector<16xi32>
      %gather3A_651 = tpu.vector_load_idx %arg7[%add3A_650, %broadcast_in_dim3A_625] : memref<512x128xf32, #tpu.memory_space<vmem>>[vector<16xi32>, vector<16xi32>], vector<16xf32>,
      %get3A_652 = arith.index_cast %add3A_608 : i32 to index
      %get3A_653 = arith.constant 32 : index
      %get3A_654 = tpu.vector_load %arg8[%get3A_652, %get3A_653] {strides = array<i32>} : memref<256x64xf32, #tpu.memory_space<vmem>>, vector<16xf32>,
      %add3A_655 = arith.addf %get3A_654, %gather3A_651 : vector<16xf32>
      %swap3A_656 = arith.index_cast %add3A_608 : i32 to index
      %swap3A_657 = arith.constant 32 : index
      %swap3A_658 = tpu.vector_load %arg8[%swap3A_656, %swap3A_657] {strides = array<i32>} : memref<256x64xf32, #tpu.memory_space<vmem>>, vector<16xf32>,
      tpu.vector_store %arg8[%swap3A_656, %swap3A_657], %add3A_655 {strides = array<i32>} : memref<256x64xf32, #tpu.memory_space<vmem>>, vector<16xf32>,
      %add3A_659 = arith.constant 448 : i32
      %add3A_660 = vector.broadcast %add3A_659 : i32 to vector<16xi32>
      %add3A_661 = arith.addi %add3A_17, %add3A_660 : vector<16xi32>
      %gather3A_662 = tpu.vector_load_idx %arg7[%add3A_661, %broadcast_in_dim3A_625] : memref<512x128xf32, #tpu.memory_space<vmem>>[vector<16xi32>, vector<16xi32>], vector<16xf32>,
      %get3A_663 = arith.index_cast %add3A_608 : i32 to index
      %get3A_664 = arith.constant 48 : index
      %get3A_665 = tpu.vector_load %arg8[%get3A_663, %get3A_664] {strides = array<i32>} : memref<256x64xf32, #tpu.memory_space<vmem>>, vector<16xf32>,
      %add3A_666 = arith.addf %get3A_665, %gather3A_662 : vector<16xf32>
      %swap3A_667 = arith.index_cast %add3A_608 : i32 to index
      %swap3A_668 = arith.constant 48 : index
      %swap3A_669 = tpu.vector_load %arg8[%swap3A_667, %swap3A_668] {strides = array<i32>} : memref<256x64xf32, #tpu.memory_space<vmem>>, vector<16xf32>,
      tpu.vector_store %arg8[%swap3A_667, %swap3A_668], %add3A_666 {strides = array<i32>} : memref<256x64xf32, #tpu.memory_space<vmem>>, vector<16xf32>,
      %lt3A = arith.constant 31 : i32
      %lt3A_670 = arith.cmpi slt, %scan3A_149, %lt3A : i32
      %convert_element_type3A = arith.extui %lt3A_670 : i1 to i32
      %cond3A = arith.constant 0 : i32
      %cond3A_671 = arith.cmpi ne, %convert_element_type3A, %cond3A : i32
      scf.if %cond3A_671 {
        %slice3A_673 = vector.extract_strided_slice %get3A_154 {offsets = [8], sizes = [1], strides = [1]} : vector<16xi32> to vector<1xi32>
        %squeeze3A_674 = vector.extract %slice3A_673[0] : i32 from vector<1xi32>
        %shift_right_arithmetic3A_675 = arith.constant 7 : i32
        %shift_right_arithmetic3A_676 = arith.shrsi %squeeze3A_674, %shift_right_arithmetic3A_675 : i32
        %mul3A_677 = arith.constant 128 : i32
        %mul3A_678 = arith.muli %shift_right_arithmetic3A_676, %mul3A_677 : i32
        %dma_start3A_679 = arith.constant 0 : i32
        %dma_start3A_680 = arith.constant 0 : i32
        %dma_start3A_681 = tpu.memref_slice %arg7[%dma_start3A_679, %dma_start3A_680] : memref<512x128xf32, #tpu.memory_space<vmem>> -> memref<64x128xf32, #tpu.memory_space<vmem>>
        %dma_start3A_682 = arith.constant 0 : i32
        %dma_start3A_683 = tpu.memref_slice %arg3[%dma_start3A_682, %mul3A_678] : memref<64x1000000xf32, #tpu.memory_space<hbm>> -> memref<64x128xf32, #tpu.memory_space<hbm>>
        %dma_start3A_684 = arith.constant 0 : i32
        %dma_start3A_685 = arith.constant 0 : i32
        %dma_start3A_686 = tpu.memref_slice %arg7[%dma_start3A_684, %dma_start3A_685] : memref<512x128xf32, #tpu.memory_space<vmem>> -> memref<64x128xf32, #tpu.memory_space<vmem>>
        %dma_start3A_687 = arith.constant 0 : i32
        %dma_start3A_688 = tpu.memref_slice %arg3[%dma_start3A_687, %mul3A_678] : memref<64x1000000xf32, #tpu.memory_space<hbm>> -> memref<64x128xf32, #tpu.memory_space<hbm>>
        tpu.enqueue_dma source(%dma_start3A_688 : memref<64x128xf32, #tpu.memory_space<hbm>>) target(%dma_start3A_686 : memref<64x128xf32, #tpu.memory_space<vmem>>) target_semaphore(%arg9 : memref<!tpu.dma_semaphore, #tpu.memory_space<semaphore_mem>>)
        %slice3A_689 = vector.extract_strided_slice %get3A_154 {offsets = [9], sizes = [1], strides = [1]} : vector<16xi32> to vector<1xi32>
        %squeeze3A_690 = vector.extract %slice3A_689[0] : i32 from vector<1xi32>
        %shift_right_arithmetic3A_691 = arith.constant 7 : i32
        %shift_right_arithmetic3A_692 = arith.shrsi %squeeze3A_690, %shift_right_arithmetic3A_691 : i32
        %mul3A_693 = arith.constant 128 : i32
        %mul3A_694 = arith.muli %shift_right_arithmetic3A_692, %mul3A_693 : i32
        %dma_start3A_695 = arith.constant 64 : i32
        %dma_start3A_696 = arith.constant 0 : i32
        %dma_start3A_697 = tpu.memref_slice %arg7[%dma_start3A_695, %dma_start3A_696] : memref<512x128xf32, #tpu.memory_space<vmem>> -> memref<64x128xf32, #tpu.memory_space<vmem>>
        %dma_start3A_698 = arith.constant 0 : i32
        %dma_start3A_699 = tpu.memref_slice %arg3[%dma_start3A_698, %mul3A_694] : memref<64x1000000xf32, #tpu.memory_space<hbm>> -> memref<64x128xf32, #tpu.memory_space<hbm>>
        %dma_start3A_700 = arith.constant 64 : i32
        %dma_start3A_701 = arith.constant 0 : i32
        %dma_start3A_702 = tpu.memref_slice %arg7[%dma_start3A_700, %dma_start3A_701] : memref<512x128xf32, #tpu.memory_space<vmem>> -> memref<64x128xf32, #tpu.memory_space<vmem>>
        %dma_start3A_703 = arith.constant 0 : i32
        %dma_start3A_704 = tpu.memref_slice %arg3[%dma_start3A_703, %mul3A_694] : memref<64x1000000xf32, #tpu.memory_space<hbm>> -> memref<64x128xf32, #tpu.memory_space<hbm>>
        tpu.enqueue_dma source(%dma_start3A_704 : memref<64x128xf32, #tpu.memory_space<hbm>>) target(%dma_start3A_702 : memref<64x128xf32, #tpu.memory_space<vmem>>) target_semaphore(%arg9 : memref<!tpu.dma_semaphore, #tpu.memory_space<semaphore_mem>>)
        %slice3A_705 = vector.extract_strided_slice %get3A_154 {offsets = [10], sizes = [1], strides = [1]} : vector<16xi32> to vector<1xi32>
        %squeeze3A_706 = vector.extract %slice3A_705[0] : i32 from vector<1xi32>
        %shift_right_arithmetic3A_707 = arith.constant 7 : i32
        %shift_right_arithmetic3A_708 = arith.shrsi %squeeze3A_706, %shift_right_arithmetic3A_707 : i32
        %mul3A_709 = arith.constant 128 : i32
        %mul3A_710 = arith.muli %shift_right_arithmetic3A_708, %mul3A_709 : i32
        %dma_start3A_711 = arith.constant 128 : i32
        %dma_start3A_712 = arith.constant 0 : i32
        %dma_start3A_713 = tpu.memref_slice %arg7[%dma_start3A_711, %dma_start3A_712] : memref<512x128xf32, #tpu.memory_space<vmem>> -> memref<64x128xf32, #tpu.memory_space<vmem>>
        %dma_start3A_714 = arith.constant 0 : i32
        %dma_start3A_715 = tpu.memref_slice %arg3[%dma_start3A_714, %mul3A_710] : memref<64x1000000xf32, #tpu.memory_space<hbm>> -> memref<64x128xf32, #tpu.memory_space<hbm>>
        %dma_start3A_716 = arith.constant 128 : i32
        %dma_start3A_717 = arith.constant 0 : i32
        %dma_start3A_718 = tpu.memref_slice %arg7[%dma_start3A_716, %dma_start3A_717] : memref<512x128xf32, #tpu.memory_space<vmem>> -> memref<64x128xf32, #tpu.memory_space<vmem>>
        %dma_start3A_719 = arith.constant 0 : i32
        %dma_start3A_720 = tpu.memref_slice %arg3[%dma_start3A_719, %mul3A_710] : memref<64x1000000xf32, #tpu.memory_space<hbm>> -> memref<64x128xf32, #tpu.memory_space<hbm>>
        tpu.enqueue_dma source(%dma_start3A_720 : memref<64x128xf32, #tpu.memory_space<hbm>>) target(%dma_start3A_718 : memref<64x128xf32, #tpu.memory_space<vmem>>) target_semaphore(%arg9 : memref<!tpu.dma_semaphore, #tpu.memory_space<semaphore_mem>>)
        %slice3A_721 = vector.extract_strided_slice %get3A_154 {offsets = [11], sizes = [1], strides = [1]} : vector<16xi32> to vector<1xi32>
        %squeeze3A_722 = vector.extract %slice3A_721[0] : i32 from vector<1xi32>
        %shift_right_arithmetic3A_723 = arith.constant 7 : i32
        %shift_right_arithmetic3A_724 = arith.shrsi %squeeze3A_722, %shift_right_arithmetic3A_723 : i32
        %mul3A_725 = arith.constant 128 : i32
        %mul3A_726 = arith.muli %shift_right_arithmetic3A_724, %mul3A_725 : i32
        %dma_start3A_727 = arith.constant 192 : i32
        %dma_start3A_728 = arith.constant 0 : i32
        %dma_start3A_729 = tpu.memref_slice %arg7[%dma_start3A_727, %dma_start3A_728] : memref<512x128xf32, #tpu.memory_space<vmem>> -> memref<64x128xf32, #tpu.memory_space<vmem>>
        %dma_start3A_730 = arith.constant 0 : i32
        %dma_start3A_731 = tpu.memref_slice %arg3[%dma_start3A_730, %mul3A_726] : memref<64x1000000xf32, #tpu.memory_space<hbm>> -> memref<64x128xf32, #tpu.memory_space<hbm>>
        %dma_start3A_732 = arith.constant 192 : i32
        %dma_start3A_733 = arith.constant 0 : i32
        %dma_start3A_734 = tpu.memref_slice %arg7[%dma_start3A_732, %dma_start3A_733] : memref<512x128xf32, #tpu.memory_space<vmem>> -> memref<64x128xf32, #tpu.memory_space<vmem>>
        %dma_start3A_735 = arith.constant 0 : i32
        %dma_start3A_736 = tpu.memref_slice %arg3[%dma_start3A_735, %mul3A_726] : memref<64x1000000xf32, #tpu.memory_space<hbm>> -> memref<64x128xf32, #tpu.memory_space<hbm>>
        tpu.enqueue_dma source(%dma_start3A_736 : memref<64x128xf32, #tpu.memory_space<hbm>>) target(%dma_start3A_734 : memref<64x128xf32, #tpu.memory_space<vmem>>) target_semaphore(%arg9 : memref<!tpu.dma_semaphore, #tpu.memory_space<semaphore_mem>>)
        %slice3A_737 = vector.extract_strided_slice %get3A_154 {offsets = [12], sizes = [1], strides = [1]} : vector<16xi32> to vector<1xi32>
        %squeeze3A_738 = vector.extract %slice3A_737[0] : i32 from vector<1xi32>
        %shift_right_arithmetic3A_739 = arith.constant 7 : i32
        %shift_right_arithmetic3A_740 = arith.shrsi %squeeze3A_738, %shift_right_arithmetic3A_739 : i32
        %mul3A_741 = arith.constant 128 : i32
        %mul3A_742 = arith.muli %shift_right_arithmetic3A_740, %mul3A_741 : i32
        %dma_start3A_743 = arith.constant 256 : i32
        %dma_start3A_744 = arith.constant 0 : i32
        %dma_start3A_745 = tpu.memref_slice %arg7[%dma_start3A_743, %dma_start3A_744] : memref<512x128xf32, #tpu.memory_space<vmem>> -> memref<64x128xf32, #tpu.memory_space<vmem>>
        %dma_start3A_746 = arith.constant 0 : i32
        %dma_start3A_747 = tpu.memref_slice %arg3[%dma_start3A_746, %mul3A_742] : memref<64x1000000xf32, #tpu.memory_space<hbm>> -> memref<64x128xf32, #tpu.memory_space<hbm>>
        %dma_start3A_748 = arith.constant 256 : i32
        %dma_start3A_749 = arith.constant 0 : i32
        %dma_start3A_750 = tpu.memref_slice %arg7[%dma_start3A_748, %dma_start3A_749] : memref<512x128xf32, #tpu.memory_space<vmem>> -> memref<64x128xf32, #tpu.memory_space<vmem>>
        %dma_start3A_751 = arith.constant 0 : i32
        %dma_start3A_752 = tpu.memref_slice %arg3[%dma_start3A_751, %mul3A_742] : memref<64x1000000xf32, #tpu.memory_space<hbm>> -> memref<64x128xf32, #tpu.memory_space<hbm>>
        tpu.enqueue_dma source(%dma_start3A_752 : memref<64x128xf32, #tpu.memory_space<hbm>>) target(%dma_start3A_750 : memref<64x128xf32, #tpu.memory_space<vmem>>) target_semaphore(%arg9 : memref<!tpu.dma_semaphore, #tpu.memory_space<semaphore_mem>>)
        %slice3A_753 = vector.extract_strided_slice %get3A_154 {offsets = [13], sizes = [1], strides = [1]} : vector<16xi32> to vector<1xi32>
        %squeeze3A_754 = vector.extract %slice3A_753[0] : i32 from vector<1xi32>
        %shift_right_arithmetic3A_755 = arith.constant 7 : i32
        %shift_right_arithmetic3A_756 = arith.shrsi %squeeze3A_754, %shift_right_arithmetic3A_755 : i32
        %mul3A_757 = arith.constant 128 : i32
        %mul3A_758 = arith.muli %shift_right_arithmetic3A_756, %mul3A_757 : i32
        %dma_start3A_759 = arith.constant 320 : i32
        %dma_start3A_760 = arith.constant 0 : i32
        %dma_start3A_761 = tpu.memref_slice %arg7[%dma_start3A_759, %dma_start3A_760] : memref<512x128xf32, #tpu.memory_space<vmem>> -> memref<64x128xf32, #tpu.memory_space<vmem>>
        %dma_start3A_762 = arith.constant 0 : i32
        %dma_start3A_763 = tpu.memref_slice %arg3[%dma_start3A_762, %mul3A_758] : memref<64x1000000xf32, #tpu.memory_space<hbm>> -> memref<64x128xf32, #tpu.memory_space<hbm>>
        %dma_start3A_764 = arith.constant 320 : i32
        %dma_start3A_765 = arith.constant 0 : i32
        %dma_start3A_766 = tpu.memref_slice %arg7[%dma_start3A_764, %dma_start3A_765] : memref<512x128xf32, #tpu.memory_space<vmem>> -> memref<64x128xf32, #tpu.memory_space<vmem>>
        %dma_start3A_767 = arith.constant 0 : i32
        %dma_start3A_768 = tpu.memref_slice %arg3[%dma_start3A_767, %mul3A_758] : memref<64x1000000xf32, #tpu.memory_space<hbm>> -> memref<64x128xf32, #tpu.memory_space<hbm>>
        tpu.enqueue_dma source(%dma_start3A_768 : memref<64x128xf32, #tpu.memory_space<hbm>>) target(%dma_start3A_766 : memref<64x128xf32, #tpu.memory_space<vmem>>) target_semaphore(%arg9 : memref<!tpu.dma_semaphore, #tpu.memory_space<semaphore_mem>>)
        %slice3A_769 = vector.extract_strided_slice %get3A_154 {offsets = [14], sizes = [1], strides = [1]} : vector<16xi32> to vector<1xi32>
        %squeeze3A_770 = vector.extract %slice3A_769[0] : i32 from vector<1xi32>
        %shift_right_arithmetic3A_771 = arith.constant 7 : i32
        %shift_right_arithmetic3A_772 = arith.shrsi %squeeze3A_770, %shift_right_arithmetic3A_771 : i32
        %mul3A_773 = arith.constant 128 : i32
        %mul3A_774 = arith.muli %shift_right_arithmetic3A_772, %mul3A_773 : i32
        %dma_start3A_775 = arith.constant 384 : i32
        %dma_start3A_776 = arith.constant 0 : i32
        %dma_start3A_777 = tpu.memref_slice %arg7[%dma_start3A_775, %dma_start3A_776] : memref<512x128xf32, #tpu.memory_space<vmem>> -> memref<64x128xf32, #tpu.memory_space<vmem>>
        %dma_start3A_778 = arith.constant 0 : i32
        %dma_start3A_779 = tpu.memref_slice %arg3[%dma_start3A_778, %mul3A_774] : memref<64x1000000xf32, #tpu.memory_space<hbm>> -> memref<64x128xf32, #tpu.memory_space<hbm>>
        %dma_start3A_780 = arith.constant 384 : i32
        %dma_start3A_781 = arith.constant 0 : i32
        %dma_start3A_782 = tpu.memref_slice %arg7[%dma_start3A_780, %dma_start3A_781] : memref<512x128xf32, #tpu.memory_space<vmem>> -> memref<64x128xf32, #tpu.memory_space<vmem>>
        %dma_start3A_783 = arith.constant 0 : i32
        %dma_start3A_784 = tpu.memref_slice %arg3[%dma_start3A_783, %mul3A_774] : memref<64x1000000xf32, #tpu.memory_space<hbm>> -> memref<64x128xf32, #tpu.memory_space<hbm>>
        tpu.enqueue_dma source(%dma_start3A_784 : memref<64x128xf32, #tpu.memory_space<hbm>>) target(%dma_start3A_782 : memref<64x128xf32, #tpu.memory_space<vmem>>) target_semaphore(%arg9 : memref<!tpu.dma_semaphore, #tpu.memory_space<semaphore_mem>>)
        %slice3A_785 = vector.extract_strided_slice %get3A_154 {offsets = [15], sizes = [1], strides = [1]} : vector<16xi32> to vector<1xi32>
        %squeeze3A_786 = vector.extract %slice3A_785[0] : i32 from vector<1xi32>
        %shift_right_arithmetic3A_787 = arith.constant 7 : i32
        %shift_right_arithmetic3A_788 = arith.shrsi %squeeze3A_786, %shift_right_arithmetic3A_787 : i32
        %mul3A_789 = arith.constant 128 : i32
        %mul3A_790 = arith.muli %shift_right_arithmetic3A_788, %mul3A_789 : i32
        %dma_start3A_791 = arith.constant 448 : i32
        %dma_start3A_792 = arith.constant 0 : i32
        %dma_start3A_793 = tpu.memref_slice %arg7[%dma_start3A_791, %dma_start3A_792] : memref<512x128xf32, #tpu.memory_space<vmem>> -> memref<64x128xf32, #tpu.memory_space<vmem>>
        %dma_start3A_794 = arith.constant 0 : i32
        %dma_start3A_795 = tpu.memref_slice %arg3[%dma_start3A_794, %mul3A_790] : memref<64x1000000xf32, #tpu.memory_space<hbm>> -> memref<64x128xf32, #tpu.memory_space<hbm>>
        %dma_start3A_796 = arith.constant 448 : i32
        %dma_start3A_797 = arith.constant 0 : i32
        %dma_start3A_798 = tpu.memref_slice %arg7[%dma_start3A_796, %dma_start3A_797] : memref<512x128xf32, #tpu.memory_space<vmem>> -> memref<64x128xf32, #tpu.memory_space<vmem>>
        %dma_start3A_799 = arith.constant 0 : i32
        %dma_start3A_800 = tpu.memref_slice %arg3[%dma_start3A_799, %mul3A_790] : memref<64x1000000xf32, #tpu.memory_space<hbm>> -> memref<64x128xf32, #tpu.memory_space<hbm>>
        tpu.enqueue_dma source(%dma_start3A_800 : memref<64x128xf32, #tpu.memory_space<hbm>>) target(%dma_start3A_798 : memref<64x128xf32, #tpu.memory_space<vmem>>) target_semaphore(%arg9 : memref<!tpu.dma_semaphore, #tpu.memory_space<semaphore_mem>>)
      } else {
      }
      %scan3A_672 = arith.constant 0 : i32
      scf.yield %scan3A_672 : i32
    }
    %scan3A_148 = arith.constant 32 : i32
    "tpu.region"() ({
      %run_scoped3A = tpu.sem_alloc : memref<!tpu.dma_semaphore, #tpu.memory_space<semaphore_mem>>
      %dma_start3A_149 = arith.constant 0 : i32
      %dma_start3A_150 = tpu.memref_slice %arg5[%mul3A_2, %dma_start3A_149] : memref<8192x64xf32, #tpu.memory_space<hbm>> -> memref<256x64xf32, #tpu.memory_space<hbm>>
      %dma_start3A_151 = arith.constant 0 : i32
      %dma_start3A_152 = tpu.memref_slice %arg5[%mul3A_2, %dma_start3A_151] : memref<8192x64xf32, #tpu.memory_space<hbm>> -> memref<256x64xf32, #tpu.memory_space<hbm>>
      tpu.enqueue_dma source(%arg8 : memref<256x64xf32, #tpu.memory_space<vmem>>) target(%dma_start3A_152 : memref<256x64xf32, #tpu.memory_space<hbm>>) target_semaphore(%run_scoped3A : memref<!tpu.dma_semaphore, #tpu.memory_space<semaphore_mem>>)
      %dma_wait3A = arith.constant 0 : i32
      %dma_wait3A_153 = tpu.memref_slice %arg5[%mul3A_2, %dma_wait3A] : memref<8192x64xf32, #tpu.memory_space<hbm>> -> memref<256x64xf32, #tpu.memory_space<hbm>>
      %dma_wait3A_154 = arith.constant 0 : i32
      %dma_wait3A_155 = tpu.memref_slice %arg5[%mul3A_2, %dma_wait3A_154] : memref<8192x64xf32, #tpu.memory_space<hbm>> -> memref<256x64xf32, #tpu.memory_space<hbm>>
      tpu.wait_dma2 semaphore(%run_scoped3A : memref<!tpu.dma_semaphore, #tpu.memory_space<semaphore_mem>>) src(%arg8 : memref<256x64xf32, #tpu.memory_space<vmem>>) dst(%dma_wait3A_155 : memref<256x64xf32, #tpu.memory_space<hbm>>)
      tpu.yield
    }) : () -> ()
    return
  }
}

</mosaic_0001>

<sc_bundles>
// kernel: _embed.3.cloned.1.call-start
scs
__scs_entry_jumppad:
0x0: {  	(pc) =	sbr.rel $0x88, $3  }
0x1: {  	(tag) =	ssettag $0x0;
	lr =	simm.s32 $0x1  }
0x2: {  	[smem:$0x3F9E] =	sst lr;
	_ =	strace $0xD0000000  }
0x3: {  	_ = 	snop  }
0x4: {  	_ = 	snop  }
0x5: {  	_ = 	snop  }
0x6: {  	_ = 	snop  }
0x7: {  	_ = 	snop  }
__scs_overlays_trampoline_lowered:
0x8: {  	[smem:$0x3FAD] =	sst s0  }
0x9: {  	[smem:$0x3FAE] =	sst s1  }
0xa: {  	[smem:$0x3FAF] =	sst s2  }
0xb: {  	[smem:$0x3FB0] =	sst s3  }
0xc: {  	[smem:$0x3FB1] =	sst s4  }
0xd: {  	[smem:$0x3FB2] =	sst s5  }
0xe: {  	[smem:$0x3FB3] =	sst s6  }
0xf: {  	[smem:$0x3FB4] =	sst s7  }
0x10: {  	[smem:$0x3FB5] =	sst s8  }
0x11: {  	[smem:$0x3FB6] =	sst s9;
	s0 =	simm.s32 @!p0 $0x0  }
0x12: {  	s1 =	sld [smem:$0x3F9C];
	s0 =	simm.s32 @p0 $0x1  }
0x13: {  	[smem:$0x3FB7] =	sst s0;
	s0 =	simm.s32 @!p1 $0x0  }
0x14: {  	s2 =	sld [smem:$0x3F9B];
	s0 =	simm.s32 @p1 $0x1  }
0x15: {  	[smem:$0x3FB8] =	sst s0;
	s0 =	simm.s32 @!p2 $0x0  }
0x16: {  	s3 =	sld [smem:$0x3FDB];
	s0 =	simm.s32 @p2 $0x1  }
0x17: {  	s4 =	simm.s32 $0x1BF5;
	[smem:$0x3FBA] =	sst s0  }
0x18: {  	s0 =	sld [smem:$0x3F9D];
	_ =	swait.ge [sflag:s4], $0x0  }
0x19: {  	s7 =	sld [smem:$0x3F9E]  }
0x1a: {  	s8 =	sadd.s32 $0xFFFFE003, lr  }
0x1b: {  	s9 =	sadd.s32 $0xFFFFFEF7, lr;
	s5 =	simm.s32 $0xFFFFFFFF;
	p2 =	slt.u32 s8, $0xFFFFF086  }
0x1c: {  	p1 =	slt.u32 s9, $0xF7A;
	s5 =	simm.s32 @!p2 $0x0  }
0x1d: {  	s5 =	simm.s32 @p1 $0x1;
	p0 =	seq.s32 s7, s2  }
0x1e: {  	s7 =	smul.u32 @!p0 $0xF7A, s2;
	p2 =	seq.s32 @!p0 s5, $0x0  }
0x1f: {  	s9 =	smul.u32 $0xF7A, s1;
	s8 =	simm.s32 @!p0 $0x1BF5;
	p2 =	por !p2, p0  }
0x20: {  	[sflag:s8] =	ssyncset.s32 @!p0 $0xFFFFF086;
	s6 =	sadd.s32 @!p0 s3, s7;
	s7 =	simm.s32 @!p0 $0x108  }
0x21: {  	s3 =	sadd.s32 s3, s9;
	s6 =	sadd.s32 @!p0 $0x88, s6;
	s7 =	simm.s32 @p2 $0x1082  }
0x22: {  	[simem:s7], [sflag:s8] =	dma.local @!p0 [hbm:s6], $0xF7A  }
0x23: {  	s9 =	sor.u32 $0xD0000000, s2;
	s6 =	simm.s32 $0x108;
	_ =	swait.ge @!p0 [sflag:s8], $0x0  }
0x24: {  	s3 =	sadd.s32 $0x88, s3;
	s6 =	simm.s32 @!p1 $0x1082;
	[sflag:s4] =	ssyncset.s32 $0xFFFFF086  }
0x25: {  	[simem:s6], [sflag:s4] =	dma.local [hbm:s3], $0xF7A  }
0x26: {  	[smem:$0x3F9E] =	sst s1;
	(tag) =	ssettag s2;
	_ =	strace s9  }
0x27: {  	s1 =	sld [smem:$0x3FAE]  }
0x28: {  	s2 =	sld [smem:$0x3FAF]  }
0x29: {  	s4 =	sld [smem:$0x3FB1]  }
0x2a: {  	p0 =	seq.s32 s5, $0x0;
	s5 =	sld [smem:$0x3FB2]  }
0x2b: {  	s6 =	sld [smem:$0x3FB3]  }
0x2c: {  	s7 =	sld [smem:$0x3FB4]  }
0x2d: {  	s3 =	simm.s32 $0x108;
	s8 =	sld [smem:$0x3FB5]  }
0x2e: {  	s3 =	simm.s32 @!p0 $0x1082;
	s9 =	sld [smem:$0x3FB6]  }
0x2f: {  	lr =	sadd.s32 s0, s3;
	s0 =	sld [smem:$0x3FAD]  }
0x30: {  	s3 =	sld [smem:$0x3FB0]  }
0x31: {  	[smem:$0x3FB9] =	sst s10  }
0x32: {  	s10 =	sld [smem:$0x3FB7];
	_ =	sdelay $0x3  }
0x33: {  	p0 =	seq.s32 s10, $0x1;
	s10 =	sld [smem:$0x3FB9];
	_ =	sdelay $0x3  }
0x34: {  	[smem:$0x3FB9] =	sst s10  }
0x35: {  	s10 =	sld [smem:$0x3FB8];
	_ =	sdelay $0x3  }
0x36: {  	p1 =	seq.s32 s10, $0x1;
	s10 =	sld [smem:$0x3FB9];
	_ =	sdelay $0x3  }
0x37: {  	[smem:$0x3FB9] =	sst s10  }
0x38: {  	s10 =	sld [smem:$0x3FBA]  }
0x39: {  	_ = 	snop;
	(pc) =	sbr.ind lr, $3  }
0x3a: {  	_ = 	snop  }
0x3b: {  	_ = 	snop  }
0x3c: {  	p2 =	seq.s32 s10, $0x1;
	s10 =	sld [smem:$0x3FB9]  }
0x3d: {  	_ =	shalt  }
0x3e: {  	_ =	shalt  }
0x3f: {  	_ =	shalt  }
0x40: {  	_ =	shalt  }
0x41: {  	_ =	shalt  }
0x42: {  	_ =	shalt  }
0x43: {  	_ =	shalt  }
0x44: {  	_ =	shalt  }
0x45: {  	_ =	shalt  }
0x46: {  	_ =	shalt  }
0x47: {  	_ =	shalt  }
0x48: {  	_ =	shalt  }
0x49: {  	_ =	shalt  }
0x4a: {  	_ =	shalt  }
0x4b: {  	_ =	shalt  }
0x4c: {  	_ =	shalt  }
0x4d: {  	_ =	shalt  }
0x4e: {  	_ =	shalt  }
0x4f: {  	_ =	shalt  }
0x50: {  	_ =	shalt  }
0x51: {  	_ =	shalt  }
0x52: {  	_ =	shalt  }
0x53: {  	_ =	shalt  }
0x54: {  	_ =	shalt  }
0x55: {  	_ =	shalt  }
0x56: {  	_ =	shalt  }
0x57: {  	_ =	shalt  }
0x58: {  	_ =	shalt  }
0x59: {  	_ =	shalt  }
0x5a: {  	_ =	shalt  }
0x5b: {  	_ =	shalt  }
0x5c: {  	_ =	shalt  }
0x5d: {  	_ =	shalt  }
0x5e: {  	_ =	shalt  }
0x5f: {  	_ =	shalt  }
0x60: {  	_ =	shalt  }
0x61: {  	_ =	shalt  }
0x62: {  	_ =	shalt  }
0x63: {  	_ =	shalt  }
0x64: {  	_ =	shalt  }
0x65: {  	_ =	shalt  }
0x66: {  	_ =	shalt  }
0x67: {  	_ =	shalt  }
0x68: {  	_ =	shalt  }
0x69: {  	_ =	shalt  }
0x6a: {  	_ =	shalt  }
0x6b: {  	_ =	shalt  }
0x6c: {  	_ =	shalt  }
0x6d: {  	_ =	shalt  }
0x6e: {  	_ =	shalt  }
0x6f: {  	_ =	shalt  }
0x70: {  	_ =	shalt  }
0x71: {  	_ =	shalt  }
0x72: {  	_ =	shalt  }
0x73: {  	_ =	shalt  }
0x74: {  	_ =	shalt  }
0x75: {  	_ =	shalt  }
0x76: {  	_ =	shalt  }
0x77: {  	_ =	shalt  }
0x78: {  	_ =	shalt  }
0x79: {  	_ =	shalt  }
0x7a: {  	_ =	shalt  }
0x7b: {  	_ =	shalt  }
0x7c: {  	_ =	shalt  }
0x7d: {  	_ =	shalt  }
0x7e: {  	_ =	shalt  }
0x7f: {  	_ =	shalt  }
0x80: {  	_ =	shalt  }
0x81: {  	_ =	shalt  }
0x82: {  	_ =	shalt  }
0x83: {  	_ =	shalt  }
0x84: {  	_ =	shalt  }
0x85: {  	_ =	shalt  }
0x86: {  	_ =	shalt  }
0x87: {  	_ =	shalt  }
.Lfunc_end0:
.L_simem_size_0:
called_computation_lowered:
.L_overlay_start_0:
0x88: {  	s2 =	sld [smem:$0x3FD9]  }
0x89: {  	s3 =	sld [smem:$0x3FFE];
	_ =	sdelay $0x1  }
0x8a: {  	s1 =	srdreg.scid  }
0x8b: {  	s0 =	sand.u32 $0x1, s1  }
0x8c: {  	s17 =	sshll.u32 s0, $0xA;
	s2 =	sadd.s32 s3, s2  }
0x8d: {  	s2 =	sadd.s32 s2, s17  }
0x8e: {  	[smem:$0x3FC5] =	sst s2  }
0x8f: {  	_ = 	snop  }
0x90: {  	s2 =	sld [smem:$0x3FC9]  }
0x91: {  	s18 =	sld [smem:$0x3FC8];
	(tm) =	ssettm $0x1  }
0x92: {  	s4 =	sld [smem:$0x3FFB];
	_ =	sdelay $0x3  }
0x93: {  	_ =	strace s4  }
0x94: {  	s4 =	sld [smem:$0x3FFC];
	_ =	sdelay $0x3  }
0x95: {  	_ =	strace s4  }
0x96: {  	s4 =	sld [smem:$0x3FFD];
	_ =	sdelay $0x3  }
0x97: {  	_ =	strace s4  }
0x98: {  	_ =	strace $0x8FFFFFFF  }
0x99: {  	s19 =	sld [smem:$0x3FDB];
	_ =	sdelay $0x1  }
0x9a: {  	s5 =	simm.s32 $_scs_section_size  }
0x9b: {  	s6 =	simm.s32 $_size__tile_overlayer_lowered;
	s7 =	simm.s32 $_tile_overlayer_lowered  }
0x9c: {  	s22 =	simm.s32 $0x1BFF;
	s21 =	sshll.u32 s7, $0x1;
	s4 =	sadd.s32 s5, s19  }
0x9d: {  	s8 =	simm.s32 $0x0;
	s20 =	sshll.u32 s6, $0x1;
	s6 =	sadd.s32 s21, s4  }
0x9e: {  	[timem:s8], [sflag:s22] =	dma.local [hbm:s6], s20  }
0x9f: {  	_ =	swait.ge [sflag:s22], s20  }
0xa0: {  	s5 =	ssub.s32 $0x0, s20;
	[sflag:s22] =	ssyncset.done $0x0  }
0xa1: {  	[sflag:s22] =	ssyncadd.s32 s5;
	_ =	sdelay $0x1  }
0xa2: {  	s23 =	simm.s32 $0x1B8B  }
0xa3: {  	_ =	swait.ge [sflag:s23], $0x1  }
0xa4: {  	[sflag:s23] =	ssyncset.done $0x0  }
0xa5: {  	s25 =	simm.s32 $0x1B8E;
	s24 =	sld [smem:$0x3FFE];
	[sflag:s23] =	ssyncadd.s32 $0xFFFFFFFF  }
0xa6: {  	s26 =	simm.s32 $execute0_lowered;
	[smem:$0x3FD2] =	sst s25  }
0xa7: {  	s6 =	sshll.u32 s26, $0x1;
	_ =	strace $0x80000046;
	[dreg:$0x1] =	wrdreg $0xFFFFFFFF  }
0xa8: {  	s28 =	simm.s32 $_size_execute0_lowered;
	s4 =	sadd.s32 s4, s6;
	[dreg:$0x0] =	wrdreg $0x0  }
0xa9: {  	s6 =	sshll.u32 s28, $0x1;
	[dreg:$0x2] =	wrdreg s4  }
0xaa: {  	[dreg:$0x3] =	wrdreg s6  }
0xab: {  	[dreg:$0x4] =	wrdreg $0xC0  }
0xac: {  	_ =	task [dreg:s8], $0x5FFFF  }
0xad: {  	[dreg:$0x1] =	wrdreg $0xFFFFFFFF  }
0xae: {  	[dreg:$0x0] =	wrdreg $0x60  }
0xaf: {  	[dreg:$0x2] =	wrdreg s2  }
0xb0: {  	[dreg:$0x3] =	wrdreg s18  }
0xb1: {  	[dreg:$0x4] =	wrdreg s24  }
0xb2: {  	[dreg:$0x5] =	wrdreg $0x9  }
0xb3: {  	_ =	task.clear_ibuf [dreg:s8], $0x6FFFF;
	_ =	strace $0x90000046  }
0xb4: {  	s29 =	simm.s32 $0x9;
	_ =	strace $0x80000048  }
0xb5: {  	_ =	swait.ge [sflag:s29], $0x1  }
0xb6: {  	[sflag:s29] =	ssyncadd.s32 $0xFFFFFFFF  }
0xb7: {  	_ =	strace $0x90000048  }
0xb8: {  	_ =	sfence  }
0xb9: {  	s30 =	sld [smem:$0x0];
	_ =	sdelay $0x2  }
0xba: {  	s31 =	sshll.u32 s1, $0xD;
	s1 =	sshrl.u32 s1, $0x2  }
0xbb: {  	s3 =	sand.u32 $0x4000, s31;
	s1 =	sadd.s32 s1, s30  }
0xbc: {  	s0 =	sor.u32 s3, s0;
	s1 =	sshll.u32 s1, $0x11  }
0xbd: {  	s0 =	sor.u32 s1, s0  }
0xbe: {  	s0 =	sadd.s32 $0x8F2B, s0  }
0xbf: {  	[sflag:s0] =	ssyncadd.remote.s32 $0x1  }
0xc0: {  	_ =	sfence.sel $0xFFFF  }
0xc1: {  	[dreg:$0x0] =	wrdreg $0xFFFFFFFF;
	(pc) =	sbr.abs _section_cstart, $3  }
0xc2: {  	[dreg:$0x1] =	wrdreg $0xFFFFFFFF  }
0xc3: {  	_ =	task.clear_ibuf [dreg:s8], $0x2FFFF;
	_ =	strace $0x9FFFFFFF  }
0xc4: {  	(tm) =	ssettm $0x7FFFFFFF  }
0xc5: {  	_ =	shalt  }
tec
execute0_lowered:
.L_overlay_start_1:
0x0: {  	(tag) =	ssettag $0x1  }
0x1: {  	s4 =	rddreg [dreg:$0x0]  }
0x2: {  	v0 =	vlaneseq.u32;
	s1 =	rddreg [dreg:$0x1]  }
0x3: {  	s5 =	rddreg [dreg:$0x2];
	v0 =	vmul.u32 $0x80, v0  }
0x4: {  	s3 =	srdreg.scid;
	s0 =	rddreg [dreg:$0x3]  }
0x5: {  	s2 =	stileid.u32;
	s10 =	simm.s32 $0x2;
	s11 =	simm.s32 $0x7A1400;
	v1 =	vor.u32 $0x800, v0  }
0x6: {  	s12 =	simm.s32 $0x180;
	s13 =	simm.s32 $0x2180;
	s14 =	simm.s32 $0x4180;
	v2 =	vor.u32 $0x1000, v0;
	v3 =	vor.u32 $0x1800, v0;
	v4 =	vor.u32 $0x2000, v0  }
0x7: {  	s15 =	simm.s32 $0x6180;
	s16 =	simm.s32 $0x8180;
	s17 =	simm.s32 $0xA180;
	v5 =	vor.u32 $0x2800, v0;
	v6 =	vor.u32 $0x3000, v0;
	v7 =	vor.u32 $0x3800, v0  }
0x8: {  	s18 =	simm.s32 $0xC180;
	s19 =	simm.s32 $0xE180;
	s20 =	simm.s32 $0x1;
	v8 =	vor.u32 $0x4000, v0;
	v9 =	vor.u32 $0x4800, v0;
	v10 =	vor.u32 $0x5000, v0  }
0x9: {  	s21 =	simm.s32 $0x0;
	s6 =	sand.u32 $0x1, s3;
	s3 =	simm.s32 $0x0;
	v11 =	vor.u32 $0x5800, v0;
	v12 =	vor.u32 $0x6000, v0;
	v13 =	vor.u32 $0x6800, v0  }
0xa: {  	s7 =	sshll.u32 s2, $0x9;
	s8 =	sshll.u32 s6, $0x8;
	[smem:$0x7FF] =	sst s3;
	v14 =	vor.u32 $0x7000, v0;
	v15 =	vor.u32 $0x7800, v0;
	v16 =	vor.u32 $0x8000, v0  }
.Ltmp0:
0xb: {  	s6 =	ssub.s32 $0x2, s6;
	s7 =	sor.u32 s8, s7;
	v17 =	vor.u32 $0x8800, v0;
	v18 =	vor.u32 $0x9000, v0;
	v19 =	vor.u32 $0x9800, v0;
	(pc) =	sbr.rel .LBB2_1-.Ltmp0, $4  }
0xc: {  	_ =	strace $0x80000047;
	s9 =	sshrl.u32 s6, $0x1;
	v20 =	vor.u32 $0xA000, v0;
	v21 =	vor.u32 $0xA800, v0;
	v22 =	vor.u32 $0xB000, v0;
	s8 =	sshll.u32 s7, $0x4  }
0xd: {  	v23 =	vor.u32 $0xB800, v0;
	v24 =	vor.u32 $0xC000, v0;
	v25 =	vor.u32 $0xC800, v0;
	s9 =	ssub.s32 s6, s9;
	s31 =	sshrl.u32 s7, $0x3;
	s8 =	sadd.s32 s8, s5  }
0xe: {  	v26 =	vor.u32 $0xD000, v0;
	v27 =	vor.u32 $0xD800, v0;
	v28 =	vor.u32 $0xE000, v0;
	s4 =	sadd.s32 s4, s31;
	s7 =	smax.u32 s9, $0x1;
	s9 =	simm.s32 $0x400  }
0xf: {  	v29 =	vor.u32 $0xE800, v0;
	v30 =	vor.u32 $0xF000, v0;
	v31 =	vor.u32 $0xF800, v0;
	s5 =	sadd.s32 $0x400, s8;
	s6 =	sadd.s32 $0x20400, s8;
	s8 =	simm.s32 $0x10180  }
.LBB2_4:
0x10: {  	s21 =	sadd.s32 $0x1, s21  }
0x11: {  	p0 =	sne.s32 s21, s7  }
.Ltmp1:
0x12: {  	_ = 	snop;
	(pc) =	sbr.rel @!p0 .LBB2_5-.Ltmp1, $4  }
0x13: {  	[hbm4b:s6+s3] =	stream.linear.scatter [tilespmem:s8], [sflag:$0x2], $0x8000, $0x38;
	[tilespmem:$0x18180] =	vst v63  }
0x14: {  	_ =	swait.ge [sflag:s10], $0x8000  }
0x15: {  	[sflag:s10] =	ssyncset.done $0x0  }
0x16: {  	[sflag:s10] =	ssyncadd.s32 $0xFFFF8000  }
.LBB2_1:
0x17: {  	[tilespmem:s3], [sflag:$0x2] =	stream.linear.gather [hbm4b:s4+s3], $0x100, $0x38;
	[tilespmem:$0x18180] =	vst v63  }
0x18: {  	_ =	swait.ge [sflag:s10], $0x100  }
0x19: {  	[sflag:s10] =	ssyncset.done $0x0  }
0x1a: {  	[sflag:s10] =	ssyncadd.s32 $0xFFFFFF00  }
0x1b: {  	[tilespmem:s8], [sflag:$0x2] =	stream.linear.gather [hbm4b:s5+s3], $0x8000, $0x38;
	[tilespmem:$0x18180] =	vst v63  }
0x1c: {  	_ =	swait.ge [sflag:s10], $0x8000  }
0x1d: {  	[sflag:s10] =	ssyncset.done $0x0  }
0x1e: {  	[sflag:s10] =	ssyncadd.s32 $0xFFFF8000  }
0x1f: {  	v32 =	vld [tilespmem:$0x0];
	_ =	sdelay $0x4  }
0x20: {  	(v2sf) =	vpush v32, $0x0  }
0x21: {  	(v2sf) =	vpush v32, $0x1;
	_ =	sdelay $0x1  }
0x22: {  	(v2sf) =	vpush v32, $0x2;
	_ =	sdelay $0x4  }
0x23: {  	(v2sf) =	vpush v32, $0x3  }
0x24: {  	(v2sf) =	vpush v32, $0x4;
	_ =	sdelay $0x5  }
0x25: {  	s22 =	spop (v2sf);
	(v2sf) =	vpush v32, $0x5  }
0x26: {  	s30 =	spop (v2sf);
	(v2sf) =	vpush v32, $0x6  }
0x27: {  	s22 =	sand.u32 $0xFFFFF80, s22  }
0x28: {  	s22 =	sadd.s32 s1, s22;
	s31 =	spop (v2sf)  }
0x29: {  	(v2sf) =	vpush v32, $0x7;
	[tilespmem:s12], [sflag:$0x1] =	stream.strided.gather [hbm4b:s22+s9], $0x2000, s11, s9, $0x38;
	[tilespmem:$0x18180] =	vst v63  }
0x2a: {  	s22 =	sand.u32 $0xFFFFF80, s30  }
0x2b: {  	s22 =	sadd.s32 s1, s22  }
0x2c: {  	[tilespmem:s13], [sflag:$0x1] =	stream.strided.gather [hbm4b:s22+s9], $0x2000, s11, s9, $0x38;
	[tilespmem:$0x18180] =	vst v63  }
0x2d: {  	s23 =	spop (v2sf);
	s22 =	sand.u32 $0xFFFFF80, s31  }
0x2e: {  	s23 =	sand.u32 $0xFFFFF80, s23;
	s24 =	spop (v2sf);
	s22 =	sadd.s32 s1, s22  }
0x2f: {  	[tilespmem:s14], [sflag:$0x1] =	stream.strided.gather [hbm4b:s22+s9], $0x2000, s11, s9, $0x38;
	[tilespmem:$0x18180] =	vst v63  }
0x30: {  	s25 =	sand.u32 $0xFFFFF80, s24;
	s22 =	sadd.s32 s1, s23  }
0x31: {  	[tilespmem:s15], [sflag:$0x1] =	stream.strided.gather [hbm4b:s22+s9], $0x2000, s11, s9, $0x38;
	[tilespmem:$0x18180] =	vst v63  }
0x32: {  	s22 =	sadd.s32 s1, s25  }
0x33: {  	[tilespmem:s16], [sflag:$0x1] =	stream.strided.gather [hbm4b:s22+s9], $0x2000, s11, s9, $0x38;
	[tilespmem:$0x18180] =	vst v63  }
0x34: {  	s26 =	spop (v2sf)  }
0x35: {  	s28 =	sand.u32 $0xFFFFF80, s26;
	s29 =	spop (v2sf)  }
0x36: {  	s22 =	sadd.s32 s1, s28;
	s30 =	sand.u32 $0xFFFFF80, s29  }
0x37: {  	[tilespmem:s17], [sflag:$0x1] =	stream.strided.gather [hbm4b:s22+s9], $0x2000, s11, s9, $0x38;
	[tilespmem:$0x18180] =	vst v63  }
0x38: {  	s31 =	spop (v2sf);
	s22 =	sadd.s32 s1, s30  }
0x39: {  	[tilespmem:s18], [sflag:$0x1] =	stream.strided.gather [hbm4b:s22+s9], $0x2000, s11, s9, $0x38;
	[tilespmem:$0x18180] =	vst v63  }
0x3a: {  	s22 =	sand.u32 $0xFFFFF80, s31  }
0x3b: {  	s22 =	sadd.s32 s1, s22  }
0x3c: {  	[tilespmem:s19], [sflag:$0x1] =	stream.strided.gather [hbm4b:s22+s9], $0x2000, s11, s9, $0x38;
	[tilespmem:$0x18180] =	vst v63  }
0x3d: {  	s23 =	simm.s32 $0x0;
	s22 =	simm.s32 $0x10380  }
.LBB2_2:
0x3e: {  	s24 =	sshra.s32 s23, $0x2  }
0x3f: {  	v32 =	vld [tilespmem:s24+$0x0];
	_ =	sdelay $0x4  }
0x40: {  	(v2sf) =	vpush v32, $0x0;
	_ =	sdelay $0xe  }
0x41: {  	s30 =	spop (v2sf)  }
0x42: {  	s24 =	sand.u32 $0x7F, s30  }
0x43: {  	v33 =	vor.u32 s24, v0  }
0x44: {  	_ =	swait.ge [sflag:s20], $0x2000  }
0x45: {  	[sflag:s20] =	ssyncset.done $0x0  }
0x46: {  	[sflag:s20] =	ssyncadd.s32 $0xFFFFE000  }
0x47: {  	v34 =	vld [tilespmem:s22+$0xFFFFFE00]  }
0x48: {  	v33 =	vld.idx.msk [tilespmem:v33+s12+$0x0], $0xffff;
	_ =	sdelay $0x2  }
0x49: {  	v35 =	vor.u32 s24, v1;
	_ =	sdelay $0x1  }
0x4a: {  	v33 =	vadd.f32 v34, v33;
	_ =	sdelay $0x1  }
0x4b: {  	v52 =	vld [tilespmem:s22+$0xFFFFFE10];
	[tilespmem:s22+$0xFFFFFE00] =	vst v33  }
0x4c: {  	v33 =	vld.idx.msk [tilespmem:v35+s12+$0x0], $0xffff;
	_ =	sdelay $0x2  }
0x4d: {  	v53 =	vor.u32 s24, v2;
	_ =	sdelay $0x1  }
0x4e: {  	(v2sf) =	vpush v32, $0x1;
	v33 =	vadd.f32 v52, v33;
	_ =	sdelay $0x1  }
0x4f: {  	v54 =	vld [tilespmem:s22+$0xFFFFFE20];
	[tilespmem:s22+$0xFFFFFE10] =	vst v33  }
0x50: {  	v33 =	vld.idx.msk [tilespmem:v53+s12+$0x0], $0xffff;
	_ =	sdelay $0x2  }
0x51: {  	v55 =	vor.u32 s24, v3;
	_ =	sdelay $0x1  }
0x52: {  	v33 =	vadd.f32 v54, v33;
	_ =	sdelay $0x1  }
0x53: {  	v56 =	vld [tilespmem:s22+$0xFFFFFE30];
	[tilespmem:s22+$0xFFFFFE20] =	vst v33  }
0x54: {  	v33 =	vld.idx.msk [tilespmem:v55+s12+$0x0], $0xffff;
	_ =	sdelay $0x3  }
0x55: {  	s31 =	spop (v2sf)  }
0x56: {  	s24 =	sand.u32 $0x7F, s31;
	v33 =	vadd.f32 v56, v33  }
0x57: {  	v57 =	vor.u32 s24, v4  }
0x58: {  	[tilespmem:s22+$0xFFFFFE30] =	vst v33  }
0x59: {  	_ =	swait.ge [sflag:s20], $0x2000  }
0x5a: {  	[sflag:s20] =	ssyncset.done $0x0  }
0x5b: {  	[sflag:s20] =	ssyncadd.s32 $0xFFFFE000  }
0x5c: {  	v58 =	vld.idx.msk [tilespmem:v57+s12+$0x0], $0xffff  }
0x5d: {  	v59 =	vld [tilespmem:s22+$0xFFFFFE80];
	_ =	sdelay $0x2  }
0x5e: {  	v60 =	vor.u32 s24, v5;
	_ =	sdelay $0x1  }
0x5f: {  	v33 =	vadd.f32 v59, v58;
	_ =	sdelay $0x1  }
0x60: {  	v61 =	vld [tilespmem:s22+$0xFFFFFE90];
	[tilespmem:s22+$0xFFFFFE80] =	vst v33  }
0x61: {  	v33 =	vld.idx.msk [tilespmem:v60+s12+$0x0], $0xffff;
	_ =	sdelay $0x2  }
0x62: {  	v62 =	vor.u32 s24, v6;
	_ =	sdelay $0x1  }
0x63: {  	(v2sf) =	vpush v32, $0x2;
	v33 =	vadd.f32 v61, v33;
	_ =	sdelay $0x1  }
0x64: {  	v63 =	vld [tilespmem:s22+$0xFFFFFEA0];
	[tilespmem:s22+$0xFFFFFE90] =	vst v33  }
0x65: {  	v33 =	vld.idx.msk [tilespmem:v62+s12+$0x0], $0xffff;
	_ =	sdelay $0x2  }
0x66: {  	v36 =	vor.u32 s24, v7;
	_ =	sdelay $0x1  }
0x67: {  	v33 =	vadd.f32 v63, v33;
	_ =	sdelay $0x1  }
0x68: {  	v37 =	vld [tilespmem:s22+$0xFFFFFEB0];
	[tilespmem:s22+$0xFFFFFEA0] =	vst v33  }
0x69: {  	v33 =	vld.idx.msk [tilespmem:v36+s12+$0x0], $0xffff;
	_ =	sdelay $0x3  }
0x6a: {  	s25 =	spop (v2sf)  }
0x6b: {  	s24 =	sand.u32 $0x7F, s25;
	v33 =	vadd.f32 v37, v33  }
0x6c: {  	v38 =	vor.u32 s24, v8  }
0x6d: {  	[tilespmem:s22+$0xFFFFFEB0] =	vst v33  }
0x6e: {  	_ =	swait.ge [sflag:s20], $0x2000  }
0x6f: {  	[sflag:s20] =	ssyncset.done $0x0  }
0x70: {  	[sflag:s20] =	ssyncadd.s32 $0xFFFFE000  }
0x71: {  	v39 =	vld.idx.msk [tilespmem:v38+s12+$0x0], $0xffff  }
0x72: {  	v40 =	vld [tilespmem:s22+$0xFFFFFF00];
	_ =	sdelay $0x2  }
0x73: {  	v41 =	vor.u32 s24, v9;
	_ =	sdelay $0x1  }
0x74: {  	v33 =	vadd.f32 v40, v39;
	_ =	sdelay $0x1  }
0x75: {  	v42 =	vld [tilespmem:s22+$0xFFFFFF10];
	[tilespmem:s22+$0xFFFFFF00] =	vst v33  }
0x76: {  	v33 =	vld.idx.msk [tilespmem:v41+s12+$0x0], $0xffff;
	_ =	sdelay $0x2  }
0x77: {  	v43 =	vor.u32 s24, v10;
	_ =	sdelay $0x1  }
0x78: {  	(v2sf) =	vpush v32, $0x3;
	v33 =	vadd.f32 v42, v33;
	_ =	sdelay $0x1  }
0x79: {  	v44 =	vld [tilespmem:s22+$0xFFFFFF20];
	[tilespmem:s22+$0xFFFFFF10] =	vst v33  }
0x7a: {  	v33 =	vld.idx.msk [tilespmem:v43+s12+$0x0], $0xffff;
	_ =	sdelay $0x2  }
0x7b: {  	v45 =	vor.u32 s24, v11;
	_ =	sdelay $0x1  }
0x7c: {  	v33 =	vadd.f32 v44, v33;
	_ =	sdelay $0x1  }
0x7d: {  	v46 =	vld [tilespmem:s22+$0xFFFFFF30];
	[tilespmem:s22+$0xFFFFFF20] =	vst v33  }
0x7e: {  	v33 =	vld.idx.msk [tilespmem:v45+s12+$0x0], $0xffff;
	_ =	sdelay $0x3  }
0x7f: {  	s26 =	spop (v2sf)  }
0x80: {  	s24 =	sand.u32 $0x7F, s26;
	v33 =	vadd.f32 v46, v33  }
0x81: {  	v47 =	vor.u32 s24, v12  }
0x82: {  	[tilespmem:s22+$0xFFFFFF30] =	vst v33  }
0x83: {  	_ =	swait.ge [sflag:s20], $0x2000  }
0x84: {  	[sflag:s20] =	ssyncset.done $0x0  }
0x85: {  	[sflag:s20] =	ssyncadd.s32 $0xFFFFE000  }
0x86: {  	v48 =	vld.idx.msk [tilespmem:v47+s12+$0x0], $0xffff  }
0x87: {  	v49 =	vld [tilespmem:s22+$0xFFFFFF80];
	_ =	sdelay $0x2  }
0x88: {  	v50 =	vor.u32 s24, v13;
	_ =	sdelay $0x1  }
0x89: {  	v33 =	vadd.f32 v49, v48;
	_ =	sdelay $0x1  }
0x8a: {  	v51 =	vld [tilespmem:s22+$0xFFFFFF90];
	[tilespmem:s22+$0xFFFFFF80] =	vst v33  }
0x8b: {  	v33 =	vld.idx.msk [tilespmem:v50+s12+$0x0], $0xffff;
	_ =	sdelay $0x2  }
0x8c: {  	v52 =	vor.u32 s24, v14;
	_ =	sdelay $0x1  }
0x8d: {  	(v2sf) =	vpush v32, $0x4;
	v33 =	vadd.f32 v51, v33;
	_ =	sdelay $0x1  }
0x8e: {  	v53 =	vld [tilespmem:s22+$0xFFFFFFA0];
	[tilespmem:s22+$0xFFFFFF90] =	vst v33  }
0x8f: {  	v33 =	vld.idx.msk [tilespmem:v52+s12+$0x0], $0xffff;
	_ =	sdelay $0x2  }
0x90: {  	v54 =	vor.u32 s24, v15;
	_ =	sdelay $0x1  }
0x91: {  	v33 =	vadd.f32 v53, v33;
	_ =	sdelay $0x1  }
0x92: {  	v55 =	vld [tilespmem:s22+$0xFFFFFFB0];
	[tilespmem:s22+$0xFFFFFFA0] =	vst v33  }
0x93: {  	v33 =	vld.idx.msk [tilespmem:v54+s12+$0x0], $0xffff;
	_ =	sdelay $0x3  }
0x94: {  	s28 =	spop (v2sf)  }
0x95: {  	s24 =	sand.u32 $0x7F, s28;
	v33 =	vadd.f32 v55, v33  }
0x96: {  	v56 =	vor.u32 s24, v16  }
0x97: {  	[tilespmem:s22+$0xFFFFFFB0] =	vst v33  }
0x98: {  	_ =	swait.ge [sflag:s20], $0x2000  }
0x99: {  	[sflag:s20] =	ssyncset.done $0x0  }
0x9a: {  	[sflag:s20] =	ssyncadd.s32 $0xFFFFE000  }
0x9b: {  	v57 =	vld.idx.msk [tilespmem:v56+s12+$0x0], $0xffff  }
0x9c: {  	v58 =	vld [tilespmem:s22+$0x0];
	_ =	sdelay $0x2  }
0x9d: {  	v59 =	vor.u32 s24, v17;
	_ =	sdelay $0x1  }
0x9e: {  	v33 =	vadd.f32 v58, v57;
	_ =	sdelay $0x1  }
0x9f: {  	v60 =	vld [tilespmem:s22+$0x10];
	[tilespmem:s22+$0x0] =	vst v33  }
0xa0: {  	v33 =	vld.idx.msk [tilespmem:v59+s12+$0x0], $0xffff;
	_ =	sdelay $0x2  }
0xa1: {  	v61 =	vor.u32 s24, v18;
	_ =	sdelay $0x1  }
0xa2: {  	(v2sf) =	vpush v32, $0x5;
	v33 =	vadd.f32 v60, v33;
	_ =	sdelay $0x1  }
0xa3: {  	v62 =	vld [tilespmem:s22+$0x20];
	[tilespmem:s22+$0x10] =	vst v33  }
0xa4: {  	v33 =	vld.idx.msk [tilespmem:v61+s12+$0x0], $0xffff;
	_ =	sdelay $0x2  }
0xa5: {  	v63 =	vor.u32 s24, v19;
	_ =	sdelay $0x1  }
0xa6: {  	v33 =	vadd.f32 v62, v33;
	_ =	sdelay $0x1  }
0xa7: {  	v36 =	vld [tilespmem:s22+$0x30];
	[tilespmem:s22+$0x20] =	vst v33  }
0xa8: {  	v33 =	vld.idx.msk [tilespmem:v63+s12+$0x0], $0xffff;
	_ =	sdelay $0x3  }
0xa9: {  	s29 =	spop (v2sf)  }
0xaa: {  	s24 =	sand.u32 $0x7F, s29;
	v33 =	vadd.f32 v36, v33  }
0xab: {  	v37 =	vor.u32 s24, v20  }
0xac: {  	[tilespmem:s22+$0x30] =	vst v33  }
0xad: {  	_ =	swait.ge [sflag:s20], $0x2000  }
0xae: {  	[sflag:s20] =	ssyncset.done $0x0  }
0xaf: {  	[sflag:s20] =	ssyncadd.s32 $0xFFFFE000  }
0xb0: {  	v38 =	vld.idx.msk [tilespmem:v37+s12+$0x0], $0xffff  }
0xb1: {  	v39 =	vld [tilespmem:s22+$0x80];
	_ =	sdelay $0x2  }
0xb2: {  	v40 =	vor.u32 s24, v21;
	_ =	sdelay $0x1  }
0xb3: {  	v33 =	vadd.f32 v39, v38;
	_ =	sdelay $0x1  }
0xb4: {  	v41 =	vld [tilespmem:s22+$0x90];
	[tilespmem:s22+$0x80] =	vst v33  }
0xb5: {  	v33 =	vld.idx.msk [tilespmem:v40+s12+$0x0], $0xffff;
	_ =	sdelay $0x2  }
0xb6: {  	v42 =	vor.u32 s24, v22;
	_ =	sdelay $0x1  }
0xb7: {  	(v2sf) =	vpush v32, $0x6;
	v33 =	vadd.f32 v41, v33;
	_ =	sdelay $0x1  }
0xb8: {  	v43 =	vld [tilespmem:s22+$0xA0];
	[tilespmem:s22+$0x90] =	vst v33  }
0xb9: {  	v33 =	vld.idx.msk [tilespmem:v42+s12+$0x0], $0xffff;
	_ =	sdelay $0x2  }
0xba: {  	v44 =	vor.u32 s24, v23;
	_ =	sdelay $0x1  }
0xbb: {  	v33 =	vadd.f32 v43, v33;
	_ =	sdelay $0x1  }
0xbc: {  	v45 =	vld [tilespmem:s22+$0xB0];
	[tilespmem:s22+$0xA0] =	vst v33  }
0xbd: {  	v33 =	vld.idx.msk [tilespmem:v44+s12+$0x0], $0xffff;
	_ =	sdelay $0x3  }
0xbe: {  	s30 =	spop (v2sf)  }
0xbf: {  	s24 =	sand.u32 $0x7F, s30;
	v33 =	vadd.f32 v45, v33  }
0xc0: {  	v46 =	vor.u32 s24, v24  }
0xc1: {  	[tilespmem:s22+$0xB0] =	vst v33  }
0xc2: {  	_ =	swait.ge [sflag:s20], $0x2000  }
0xc3: {  	[sflag:s20] =	ssyncset.done $0x0  }
0xc4: {  	[sflag:s20] =	ssyncadd.s32 $0xFFFFE000  }
0xc5: {  	v47 =	vld.idx.msk [tilespmem:v46+s12+$0x0], $0xffff  }
0xc6: {  	v48 =	vld [tilespmem:s22+$0x100];
	_ =	sdelay $0x2  }
0xc7: {  	v49 =	vor.u32 s24, v25;
	_ =	sdelay $0x1  }
0xc8: {  	v33 =	vadd.f32 v48, v47;
	_ =	sdelay $0x1  }
0xc9: {  	v50 =	vld [tilespmem:s22+$0x110];
	[tilespmem:s22+$0x100] =	vst v33  }
0xca: {  	v33 =	vld.idx.msk [tilespmem:v49+s12+$0x0], $0xffff;
	_ =	sdelay $0x2  }
0xcb: {  	v51 =	vor.u32 s24, v26;
	_ =	sdelay $0x1  }
0xcc: {  	(v2sf) =	vpush v32, $0x7;
	v33 =	vadd.f32 v50, v33;
	_ =	sdelay $0x1  }
0xcd: {  	v52 =	vld [tilespmem:s22+$0x120];
	[tilespmem:s22+$0x110] =	vst v33  }
0xce: {  	v33 =	vld.idx.msk [tilespmem:v51+s12+$0x0], $0xffff;
	_ =	sdelay $0x2  }
0xcf: {  	v53 =	vor.u32 s24, v27;
	_ =	sdelay $0x1  }
0xd0: {  	v33 =	vadd.f32 v52, v33;
	_ =	sdelay $0x1  }
0xd1: {  	v54 =	vld [tilespmem:s22+$0x130];
	[tilespmem:s22+$0x120] =	vst v33  }
0xd2: {  	v33 =	vld.idx.msk [tilespmem:v53+s12+$0x0], $0xffff;
	_ =	sdelay $0x3  }
0xd3: {  	s31 =	spop (v2sf)  }
0xd4: {  	s24 =	sand.u32 $0x7F, s31;
	v33 =	vadd.f32 v54, v33  }
0xd5: {  	v55 =	vor.u32 s24, v28  }
0xd6: {  	[tilespmem:s22+$0x130] =	vst v33  }
0xd7: {  	_ =	swait.ge [sflag:s20], $0x2000  }
0xd8: {  	[sflag:s20] =	ssyncset.done $0x0  }
0xd9: {  	[sflag:s20] =	ssyncadd.s32 $0xFFFFE000  }
0xda: {  	v56 =	vld.idx.msk [tilespmem:v55+s12+$0x0], $0xffff  }
0xdb: {  	v57 =	vld [tilespmem:s22+$0x180];
	_ =	sdelay $0x2  }
0xdc: {  	v58 =	vor.u32 s24, v29;
	_ =	sdelay $0x1  }
0xdd: {  	v33 =	vadd.f32 v57, v56;
	_ =	sdelay $0x1  }
0xde: {  	v59 =	vld [tilespmem:s22+$0x190];
	[tilespmem:s22+$0x180] =	vst v33  }
0xdf: {  	v33 =	vld.idx.msk [tilespmem:v58+s12+$0x0], $0xffff;
	_ =	sdelay $0x2  }
0xe0: {  	v60 =	vor.u32 s24, v30;
	_ =	sdelay $0x1  }
0xe1: {  	v33 =	vadd.f32 v59, v33;
	_ =	sdelay $0x1  }
0xe2: {  	v61 =	vld [tilespmem:s22+$0x1A0];
	[tilespmem:s22+$0x190] =	vst v33  }
0xe3: {  	v33 =	vld.idx.msk [tilespmem:v60+s12+$0x0], $0xffff;
	_ =	sdelay $0x2  }
0xe4: {  	v62 =	vor.u32 s24, v31;
	_ =	sdelay $0x1  }
0xe5: {  	v33 =	vadd.f32 v61, v33;
	_ =	sdelay $0x1  }
0xe6: {  	v63 =	vld [tilespmem:s22+$0x1B0];
	[tilespmem:s22+$0x1A0] =	vst v33  }
0xe7: {  	v33 =	vld.idx.msk [tilespmem:v62+s12+$0x0], $0xffff;
	_ =	sdelay $0x1  }
0xe8: {  	p0 =	seq.s32 s23, $0x3E0  }
.Ltmp2:
0xe9: {  	_ = 	snop;
	(pc) =	sbr.rel @p0 .LBB2_4-.Ltmp2, $3  }
0xea: {  	_ = 	snop  }
0xeb: {  	v33 =	vadd.f32 v63, v33;
	_ =	sdelay $0x1  }
0xec: {  	[tilespmem:s22+$0x1B0] =	vst v33  }
0xed: {  	(v2sf) =	vpush v32, $0x8;
	_ =	sdelay $0x1  }
0xee: {  	(v2sf) =	vpush v32, $0x9;
	_ =	sdelay $0x1  }
0xef: {  	(v2sf) =	vpush v32, $0xA;
	_ =	sdelay $0x2  }
0xf0: {  	(v2sf) =	vpush v32, $0xB;
	_ =	sdelay $0x7  }
0xf1: {  	s24 =	spop (v2sf);
	(v2sf) =	vpush v32, $0xC;
	_ =	sdelay $0x1  }
0xf2: {  	s31 =	spop (v2sf);
	(v2sf) =	vpush v32, $0xD  }
0xf3: {  	s24 =	sand.u32 $0xFFFFF80, s24  }
0xf4: {  	s24 =	sadd.s32 s1, s24;
	s25 =	spop (v2sf)  }
0xf5: {  	(v2sf) =	vpush v32, $0xE;
	[tilespmem:s12], [sflag:$0x1] =	stream.strided.gather [hbm4b:s24+s9], $0x2000, s11, s9, $0x38;
	[tilespmem:$0x18180] =	vst v63  }
0xf6: {  	s24 =	sand.u32 $0xFFFFF80, s31  }
0xf7: {  	s26 =	spop (v2sf);
	s24 =	sadd.s32 s1, s24  }
0xf8: {  	(v2sf) =	vpush v32, $0xF;
	[tilespmem:s13], [sflag:$0x1] =	stream.strided.gather [hbm4b:s24+s9], $0x2000, s11, s9, $0x38;
	[tilespmem:$0x18180] =	vst v63  }
0xf9: {  	s24 =	sand.u32 $0xFFFFF80, s25  }
0xfa: {  	s24 =	sadd.s32 s1, s24  }
0xfb: {  	[tilespmem:s14], [sflag:$0x1] =	stream.strided.gather [hbm4b:s24+s9], $0x2000, s11, s9, $0x38;
	[tilespmem:$0x18180] =	vst v63  }
0xfc: {  	s24 =	sand.u32 $0xFFFFF80, s26  }
0xfd: {  	s24 =	sadd.s32 s1, s24  }
0xfe: {  	[tilespmem:s15], [sflag:$0x1] =	stream.strided.gather [hbm4b:s24+s9], $0x2000, s11, s9, $0x38;
	[tilespmem:$0x18180] =	vst v63  }
0xff: {  	s28 =	spop (v2sf)  }
0x100: {  	s24 =	sand.u32 $0xFFFFF80, s28  }
0x101: {  	s29 =	spop (v2sf);
	s24 =	sadd.s32 s1, s24  }
0x102: {  	[tilespmem:s16], [sflag:$0x1] =	stream.strided.gather [hbm4b:s24+s9], $0x2000, s11, s9, $0x38;
	[tilespmem:$0x18180] =	vst v63  }
0x103: {  	s24 =	sand.u32 $0xFFFFF80, s29  }
0x104: {  	s30 =	spop (v2sf);
	s24 =	sadd.s32 s1, s24  }
0x105: {  	[tilespmem:s17], [sflag:$0x1] =	stream.strided.gather [hbm4b:s24+s9], $0x2000, s11, s9, $0x38;
	[tilespmem:$0x18180] =	vst v63  }
0x106: {  	s24 =	sand.u32 $0xFFFFF80, s30  }
.Ltmp3:
0x107: {  	s31 =	spop (v2sf);
	s24 =	sadd.s32 s1, s24;
	(pc) =	sbr.rel .LBB2_2-.Ltmp3, $4  }
0x108: {  	[tilespmem:s18], [sflag:$0x1] =	stream.strided.gather [hbm4b:s24+s9], $0x2000, s11, s9, $0x38;
	[tilespmem:$0x18180] =	vst v63  }
0x109: {  	s24 =	sand.u32 $0xFFFFF80, s31  }
0x10a: {  	s23 =	sadd.s32 $0x20, s23;
	s22 =	sadd.s32 $0x400, s22;
	s24 =	sadd.s32 s1, s24  }
0x10b: {  	[tilespmem:s19], [sflag:$0x1] =	stream.strided.gather [hbm4b:s24+s9], $0x2000, s11, s9, $0x38;
	[tilespmem:$0x18180] =	vst v63  }
.LBB2_5:
0x10c: {  	_ =	sfence.sel $0x180000  }
0x10d: {  	[bflag:$0x0] =	sbarrier.arrive $0xFFFF  }
0x10e: {  	p0 =	sne.s32 s2, $0x0;
	_ =	strace $0x90000047  }
0x10f: {  	s0 =	sadd.s32 @!p0 $0x100000, s0;
	[bflag:$0x2] =	sbarrier.arrive $0xFFFF  }
0x110: {  	[sflag:s0] =	ssyncadd.tile.s32 @!p0 $0x1;
	_ =	shalt  }
.Lfunc_end2:
_tile_overlayer_lowered:
.L_overlay_start_2:
0x111: {  	(tag) =	ssettag $0x2  }
0x112: {  	s0 =	rddreg [dreg:$0x0];
	s2 =	stileid.u32  }
0x113: {  	s1 =	rddreg [dreg:$0x1];
	p0 =	sne.s32 s2, $0x0  }
0x114: {  	s3 =	rddreg [dreg:$0x2];
	[bflag:$0x3] =	sbarrier.arrive $0xFFFF;
	s2 =	simm.s32 @!p0 $0x1C02  }
0x115: {  	[timem:s3], [sflag:s2] =	dma.local @!p0 [hbm:s0], s1  }
0x116: {  	s0 =	simm.s32 @!p0 $0x2  }
0x117: {  	_ =	swait.ge @!p0 [sflag:s0], s1  }
0x118: {  	s1 =	ssub.s32 @!p0 $0x0, s1;
	[sflag:s0] =	ssyncset.done @!p0 $0x0  }
0x119: {  	[sflag:s0] =	ssyncadd.s32 @!p0 s1  }
0x11a: {  	[bflag:$0x3] =	sbarrier.arrive $0xFFFF  }
0x11b: {  	_ =	shalt  }

</sc_bundles>
